<compile_context>
chip_gen: v7x
topology: tpu7x:2x2x1
jax: 0.10.2.dev20260603
libtpu: 0.0.44.dev20260713+nightly
codegen_flags: <defaults>
</compile_context>

<pallas_src>
import functools

import jax
import jax.numpy as jnp
from jax import lax
from jax.experimental import pallas as pl
from jax.experimental.pallas import tpu as pltpu
from jax.experimental.pallas import tpu_sc as plsc

NC = 2
NS = 16
NW = NC * NS
RPB = 128
NBUF = 5


def _gather_fn(nstep, d):
    mesh = plsc.VectorSubcoreMesh(
        core_axis_name="c", subcore_axis_name="s",
        num_cores=NC, num_subcores=NS,
    )

    @functools.partial(
        pl.kernel,
        out_type=jax.ShapeDtypeStruct((NW * nstep * RPB, d), jnp.float32),
        mesh=mesh,
        compiler_params=pltpu.CompilerParams(use_tc_tiling_on_sc=False),
        scratch_types=[
            pltpu.VMEM((nstep, RPB), jnp.int32),
            pltpu.VMEM((NBUF, RPB, d), jnp.float32),
            pltpu.SemaphoreType.DMA,
            pltpu.SemaphoreType.DMA,
        ],
    )
    def gather_kernel(ids_hbm, table_hbm, out_hbm, idx_v, bufs, gsem, ssem):
        wid = lax.axis_index("s") * NC + lax.axis_index("c")
        base = wid * nstep * RPB
        pltpu.sync_copy(ids_hbm.at[wid], idx_v)

        for b in range(NBUF):
            pltpu.async_copy(table_hbm.at[idx_v.at[b]], bufs.at[b], gsem)

        @pl.loop(0, nstep, step=NBUF)
        def _(g):
            for b in range(NBUF):
                j = g + b
                pltpu.make_async_copy(
                    table_hbm.at[idx_v.at[0]], bufs.at[b], gsem
                ).wait()
                st = pltpu.async_copy(
                    bufs.at[b], out_hbm.at[pl.ds(base + j * RPB, RPB)], ssem
                )
                st.wait()
                @pl.when(j + NBUF < nstep)
                def _():
                    pltpu.async_copy(
                        table_hbm.at[idx_v.at[j + NBUF]], bufs.at[b], gsem
                    )

    return gather_kernel


def kernel(input_ids, table):
    batch, seq = input_ids.shape
    _, d = table.shape
    n = batch * seq
    assert n % (NW * RPB) == 0
    nstep = n // (NW * RPB)
    assert nstep % NBUF == 0
    ids = input_ids.reshape(NW, nstep, RPB)
    out = _gather_fn(nstep, d)(ids, table)
    return out.reshape(batch, seq, d)

# --- scband reference (transcript-rebuilt; emitter-appended) ---
"""Pipeline reference for scband-embeddings-with-fixes-23175643530037 (READ-ONLY COPY).

The authoritative reference and input builder live on the scoring server;
editing this copy changes nothing except your own understanding.
"""

import jax, jax.numpy as jnp
import numpy as np

VOCAB = 1000000
EMBED_DIM = 64
BATCH = 4096
SEQ = 50


def setup_inputs(seed: int = 0) -> dict:
    key = jax.random.key(seed)
    k_idx, k_tab = jax.random.split(key)
    input_ids = jax.random.randint(k_idx, (BATCH, SEQ), 0, VOCAB, dtype=jnp.int32)
    # learned parameter of the wrapped embedding module
    table = jax.random.normal(k_tab, (VOCAB, EMBED_DIM), dtype=jnp.float32) * 0.02
    return {"input_ids": input_ids, "table": table}


def reference(input_ids, table):
    # EmbeddingsWithFixes.forward:
    #   fixes = self.embeddings.fixes; self.embeddings.fixes = None
    #   inputs_embeds = self.wrapped(input_ids)
    #   if fixes is None or empty: return inputs_embeds
    # We model the standard (no textual-inversion fixes) path: fixes is None,
    # so the forward reduces to a plain embedding gather.
    fixes = None
    inputs_embeds = jnp.take(table, input_ids, axis=0)
    if fixes is None or len(fixes) == 0:
        return inputs_embeds
    return inputs_embeds

if __name__ == "__main__":
    import jax
    _d = setup_inputs()
    print(jax.jit(kernel)(*tuple(_d.values())))

</pallas_src>

<mosaic_0001>
#map = affine_map<(d0, d1) -> (0, 0, 0)>
#map1 = affine_map<(d0, d1) -> (0, 0)>
module attributes {stable_mosaic.version = 14 : i64} {
  func.func @gather_kernel(%arg0: i32, %arg1: i32, %arg2: memref<32x50x128xi32, #tpu.memory_space<hbm>>, %arg3: memref<1000000x64xf32, #tpu.memory_space<hbm>>, %arg4: memref<204800x64xf32, #tpu.memory_space<hbm>>, %arg5: memref<50x128xi32, #tpu.memory_space<vmem>>, %arg6: memref<5x128x64xf32, #tpu.memory_space<vmem>>, %arg7: memref<!tpu.dma_semaphore, #tpu.memory_space<semaphore_mem>>, %arg8: memref<!tpu.dma_semaphore, #tpu.memory_space<semaphore_mem>>) attributes {dimension_semantics = [#tpu.dimension_semantics<core_parallel>, #tpu.dimension_semantics<subcore_parallel>], iteration_bounds = array<i64: 2, 16>, scalar_prefetch = 0 : i64, scratch_operands = 4 : i64, tpu.core_type = #tpu.core_type<sc_vector_subcore>, window_params = [{transform_indices = #map}, {transform_indices = #map1}, {transform_indices = #map1}]} {
    %mul3A = arith.constant 2 : i32
    %mul3A_0 = arith.muli %arg1, %mul3A : i32
    %add3A = arith.addi %mul3A_0, %arg0 : i32
    %mul3A_1 = arith.constant 50 : i32
    %mul3A_2 = arith.muli %add3A, %mul3A_1 : i32
    %mul3A_3 = arith.constant 128 : i32
    %mul3A_4 = arith.muli %mul3A_2, %mul3A_3 : i32
    "tpu.region"() ({
      %run_scoped3A = tpu.sem_alloc : memref<!tpu.dma_semaphore, #tpu.memory_space<semaphore_mem>>
      %dma_start3A_68 = arith.constant 0 : i32
      %dma_start3A_69 = arith.constant 0 : i32
      %dma_start3A_70 = tpu.memref_slice %arg2[%add3A, %dma_start3A_68, %dma_start3A_69] : memref<32x50x128xi32, #tpu.memory_space<hbm>> -> memref<1x50x128xi32, #tpu.memory_space<hbm>>
      %dma_start3A_71 = tpu.memref_squeeze %dma_start3A_70 : memref<1x50x128xi32, #tpu.memory_space<hbm>> -> memref<50x128xi32, #tpu.memory_space<hbm>>
      %dma_start3A_72 = arith.constant 0 : i32
      %dma_start3A_73 = arith.constant 0 : i32
      %dma_start3A_74 = tpu.memref_slice %arg2[%add3A, %dma_start3A_72, %dma_start3A_73] : memref<32x50x128xi32, #tpu.memory_space<hbm>> -> memref<1x50x128xi32, #tpu.memory_space<hbm>>
      %dma_start3A_75 = tpu.memref_squeeze %dma_start3A_74 : memref<1x50x128xi32, #tpu.memory_space<hbm>> -> memref<50x128xi32, #tpu.memory_space<hbm>>
      tpu.enqueue_dma source(%dma_start3A_75 : memref<50x128xi32, #tpu.memory_space<hbm>>) target(%arg5 : memref<50x128xi32, #tpu.memory_space<vmem>>) target_semaphore(%run_scoped3A : memref<!tpu.dma_semaphore, #tpu.memory_space<semaphore_mem>>)
      %dma_wait3A = arith.constant 0 : i32
      %dma_wait3A_76 = arith.constant 0 : i32
      %dma_wait3A_77 = tpu.memref_slice %arg2[%add3A, %dma_wait3A, %dma_wait3A_76] : memref<32x50x128xi32, #tpu.memory_space<hbm>> -> memref<1x50x128xi32, #tpu.memory_space<hbm>>
      %dma_wait3A_78 = tpu.memref_squeeze %dma_wait3A_77 : memref<1x50x128xi32, #tpu.memory_space<hbm>> -> memref<50x128xi32, #tpu.memory_space<hbm>>
      %dma_wait3A_79 = arith.constant 0 : i32
      %dma_wait3A_80 = arith.constant 0 : i32
      %dma_wait3A_81 = tpu.memref_slice %arg2[%add3A, %dma_wait3A_79, %dma_wait3A_80] : memref<32x50x128xi32, #tpu.memory_space<hbm>> -> memref<1x50x128xi32, #tpu.memory_space<hbm>>
      %dma_wait3A_82 = tpu.memref_squeeze %dma_wait3A_81 : memref<1x50x128xi32, #tpu.memory_space<hbm>> -> memref<50x128xi32, #tpu.memory_space<hbm>>
      tpu.wait_dma2 semaphore(%run_scoped3A : memref<!tpu.dma_semaphore, #tpu.memory_space<semaphore_mem>>) src(%dma_wait3A_82 : memref<50x128xi32, #tpu.memory_space<hbm>>) dst(%arg5 : memref<50x128xi32, #tpu.memory_space<vmem>>)
      tpu.yield
    }) : () -> ()
    %dma_start3A = arith.constant 0 : i32
    %dma_start3A_5 = arith.constant 0 : i32
    %dma_start3A_6 = arith.constant 0 : i32
    %dma_start3A_7 = arith.constant 0 : i32
    %dma_start3A_8 = tpu.memref_slice %arg6[%dma_start3A_5, %dma_start3A_6, %dma_start3A_7] : memref<5x128x64xf32, #tpu.memory_space<vmem>> -> memref<1x128x64xf32, #tpu.memory_space<vmem>>
    %dma_start3A_9 = tpu.memref_squeeze %dma_start3A_8 : memref<1x128x64xf32, #tpu.memory_space<vmem>> -> memref<128x64xf32, #tpu.memory_space<vmem>>
    %dma_start3A_10 = arith.constant 0 : i32
    %dma_start3A_11 = tpu.memref_slice %arg5[%dma_start3A, %dma_start3A_10] : memref<50x128xi32, #tpu.memory_space<vmem>> -> memref<1x128xi32, #tpu.memory_space<vmem>>
    %dma_start3A_12 = tpu.memref_squeeze %dma_start3A_11 : memref<1x128xi32, #tpu.memory_space<vmem>> -> memref<128xi32, #tpu.memory_space<vmem>>
    %dma_start3A_13 = arith.constant 0 : i32
    %dma_start3A_14 = arith.constant 0 : i32
    %dma_start3A_15 = tpu.memref_slice %arg3[%dma_start3A_13, %dma_start3A_14] : memref<1000000x64xf32, #tpu.memory_space<hbm>> -> memref<1000000x64xf32, #tpu.memory_space<hbm>>
    tpu.enqueue_indirect_dma source(%dma_start3A_15 : memref<1000000x64xf32, #tpu.memory_space<hbm>>) target(%dma_start3A_9 : memref<128x64xf32, #tpu.memory_space<vmem>>) offsets(%dma_start3A_12 : memref<128xi32, #tpu.memory_space<vmem>>) semaphore(%arg7 : memref<!tpu.dma_semaphore, #tpu.memory_space<semaphore_mem>>)
    %dma_start3A_16 = arith.constant 1 : i32
    %dma_start3A_17 = arith.constant 1 : i32
    %dma_start3A_18 = arith.constant 0 : i32
    %dma_start3A_19 = arith.constant 0 : i32
    %dma_start3A_20 = tpu.memref_slice %arg6[%dma_start3A_17, %dma_start3A_18, %dma_start3A_19] : memref<5x128x64xf32, #tpu.memory_space<vmem>> -> memref<1x128x64xf32, #tpu.memory_space<vmem>>
    %dma_start3A_21 = tpu.memref_squeeze %dma_start3A_20 : memref<1x128x64xf32, #tpu.memory_space<vmem>> -> memref<128x64xf32, #tpu.memory_space<vmem>>
    %dma_start3A_22 = arith.constant 0 : i32
    %dma_start3A_23 = tpu.memref_slice %arg5[%dma_start3A_16, %dma_start3A_22] : memref<50x128xi32, #tpu.memory_space<vmem>> -> memref<1x128xi32, #tpu.memory_space<vmem>>
    %dma_start3A_24 = tpu.memref_squeeze %dma_start3A_23 : memref<1x128xi32, #tpu.memory_space<vmem>> -> memref<128xi32, #tpu.memory_space<vmem>>
    %dma_start3A_25 = arith.constant 0 : i32
    %dma_start3A_26 = arith.constant 0 : i32
    %dma_start3A_27 = tpu.memref_slice %arg3[%dma_start3A_25, %dma_start3A_26] : memref<1000000x64xf32, #tpu.memory_space<hbm>> -> memref<1000000x64xf32, #tpu.memory_space<hbm>>
    tpu.enqueue_indirect_dma source(%dma_start3A_27 : memref<1000000x64xf32, #tpu.memory_space<hbm>>) target(%dma_start3A_21 : memref<128x64xf32, #tpu.memory_space<vmem>>) offsets(%dma_start3A_24 : memref<128xi32, #tpu.memory_space<vmem>>) semaphore(%arg7 : memref<!tpu.dma_semaphore, #tpu.memory_space<semaphore_mem>>)
    %dma_start3A_28 = arith.constant 2 : i32
    %dma_start3A_29 = arith.constant 2 : i32
    %dma_start3A_30 = arith.constant 0 : i32
    %dma_start3A_31 = arith.constant 0 : i32
    %dma_start3A_32 = tpu.memref_slice %arg6[%dma_start3A_29, %dma_start3A_30, %dma_start3A_31] : memref<5x128x64xf32, #tpu.memory_space<vmem>> -> memref<1x128x64xf32, #tpu.memory_space<vmem>>
    %dma_start3A_33 = tpu.memref_squeeze %dma_start3A_32 : memref<1x128x64xf32, #tpu.memory_space<vmem>> -> memref<128x64xf32, #tpu.memory_space<vmem>>
    %dma_start3A_34 = arith.constant 0 : i32
    %dma_start3A_35 = tpu.memref_slice %arg5[%dma_start3A_28, %dma_start3A_34] : memref<50x128xi32, #tpu.memory_space<vmem>> -> memref<1x128xi32, #tpu.memory_space<vmem>>
    %dma_start3A_36 = tpu.memref_squeeze %dma_start3A_35 : memref<1x128xi32, #tpu.memory_space<vmem>> -> memref<128xi32, #tpu.memory_space<vmem>>
    %dma_start3A_37 = arith.constant 0 : i32
    %dma_start3A_38 = arith.constant 0 : i32
    %dma_start3A_39 = tpu.memref_slice %arg3[%dma_start3A_37, %dma_start3A_38] : memref<1000000x64xf32, #tpu.memory_space<hbm>> -> memref<1000000x64xf32, #tpu.memory_space<hbm>>
    tpu.enqueue_indirect_dma source(%dma_start3A_39 : memref<1000000x64xf32, #tpu.memory_space<hbm>>) target(%dma_start3A_33 : memref<128x64xf32, #tpu.memory_space<vmem>>) offsets(%dma_start3A_36 : memref<128xi32, #tpu.memory_space<vmem>>) semaphore(%arg7 : memref<!tpu.dma_semaphore, #tpu.memory_space<semaphore_mem>>)
    %dma_start3A_40 = arith.constant 3 : i32
    %dma_start3A_41 = arith.constant 3 : i32
    %dma_start3A_42 = arith.constant 0 : i32
    %dma_start3A_43 = arith.constant 0 : i32
    %dma_start3A_44 = tpu.memref_slice %arg6[%dma_start3A_41, %dma_start3A_42, %dma_start3A_43] : memref<5x128x64xf32, #tpu.memory_space<vmem>> -> memref<1x128x64xf32, #tpu.memory_space<vmem>>
    %dma_start3A_45 = tpu.memref_squeeze %dma_start3A_44 : memref<1x128x64xf32, #tpu.memory_space<vmem>> -> memref<128x64xf32, #tpu.memory_space<vmem>>
    %dma_start3A_46 = arith.constant 0 : i32
    %dma_start3A_47 = tpu.memref_slice %arg5[%dma_start3A_40, %dma_start3A_46] : memref<50x128xi32, #tpu.memory_space<vmem>> -> memref<1x128xi32, #tpu.memory_space<vmem>>
    %dma_start3A_48 = tpu.memref_squeeze %dma_start3A_47 : memref<1x128xi32, #tpu.memory_space<vmem>> -> memref<128xi32, #tpu.memory_space<vmem>>
    %dma_start3A_49 = arith.constant 0 : i32
    %dma_start3A_50 = arith.constant 0 : i32
    %dma_start3A_51 = tpu.memref_slice %arg3[%dma_start3A_49, %dma_start3A_50] : memref<1000000x64xf32, #tpu.memory_space<hbm>> -> memref<1000000x64xf32, #tpu.memory_space<hbm>>
    tpu.enqueue_indirect_dma source(%dma_start3A_51 : memref<1000000x64xf32, #tpu.memory_space<hbm>>) target(%dma_start3A_45 : memref<128x64xf32, #tpu.memory_space<vmem>>) offsets(%dma_start3A_48 : memref<128xi32, #tpu.memory_space<vmem>>) semaphore(%arg7 : memref<!tpu.dma_semaphore, #tpu.memory_space<semaphore_mem>>)
    %dma_start3A_52 = arith.constant 4 : i32
    %dma_start3A_53 = arith.constant 4 : i32
    %dma_start3A_54 = arith.constant 0 : i32
    %dma_start3A_55 = arith.constant 0 : i32
    %dma_start3A_56 = tpu.memref_slice %arg6[%dma_start3A_53, %dma_start3A_54, %dma_start3A_55] : memref<5x128x64xf32, #tpu.memory_space<vmem>> -> memref<1x128x64xf32, #tpu.memory_space<vmem>>
    %dma_start3A_57 = tpu.memref_squeeze %dma_start3A_56 : memref<1x128x64xf32, #tpu.memory_space<vmem>> -> memref<128x64xf32, #tpu.memory_space<vmem>>
    %dma_start3A_58 = arith.constant 0 : i32
    %dma_start3A_59 = tpu.memref_slice %arg5[%dma_start3A_52, %dma_start3A_58] : memref<50x128xi32, #tpu.memory_space<vmem>> -> memref<1x128xi32, #tpu.memory_space<vmem>>
    %dma_start3A_60 = tpu.memref_squeeze %dma_start3A_59 : memref<1x128xi32, #tpu.memory_space<vmem>> -> memref<128xi32, #tpu.memory_space<vmem>>
    %dma_start3A_61 = arith.constant 0 : i32
    %dma_start3A_62 = arith.constant 0 : i32
    %dma_start3A_63 = tpu.memref_slice %arg3[%dma_start3A_61, %dma_start3A_62] : memref<1000000x64xf32, #tpu.memory_space<hbm>> -> memref<1000000x64xf32, #tpu.memory_space<hbm>>
    tpu.enqueue_indirect_dma source(%dma_start3A_63 : memref<1000000x64xf32, #tpu.memory_space<hbm>>) target(%dma_start3A_57 : memref<128x64xf32, #tpu.memory_space<vmem>>) offsets(%dma_start3A_60 : memref<128xi32, #tpu.memory_space<vmem>>) semaphore(%arg7 : memref<!tpu.dma_semaphore, #tpu.memory_space<semaphore_mem>>)
    %scan3A = arith.constant 0 : i32
    %scan3A_64 = arith.constant 10 : i32
    %scan3A_65 = arith.addi %scan3A, %scan3A_64 : i32
    %scan3A_66 = arith.constant 1 : i32
    scf.for %scan3A_68 = %scan3A to %scan3A_65 step %scan3A_66  : i32 {
      %mul3A_69 = arith.constant 5 : i32
      %mul3A_70 = arith.muli %scan3A_68, %mul3A_69 : i32
      %add3A_71 = arith.constant 0 : i32
      %add3A_72 = arith.addi %add3A_71, %mul3A_70 : i32
      %add3A_73 = arith.constant 0 : i32
      %add3A_74 = arith.addi %add3A_72, %add3A_73 : i32
      %dma_wait3A = arith.constant 0 : i32
      %dma_wait3A_75 = arith.constant 0 : i32
      %dma_wait3A_76 = arith.constant 0 : i32
      %dma_wait3A_77 = arith.constant 0 : i32
      %dma_wait3A_78 = tpu.memref_slice %arg6[%dma_wait3A_75, %dma_wait3A_76, %dma_wait3A_77] : memref<5x128x64xf32, #tpu.memory_space<vmem>> -> memref<1x128x64xf32, #tpu.memory_space<vmem>>
      %dma_wait3A_79 = tpu.memref_squeeze %dma_wait3A_78 : memref<1x128x64xf32, #tpu.memory_space<vmem>> -> memref<128x64xf32, #tpu.memory_space<vmem>>
      %dma_wait3A_80 = arith.constant 0 : i32
      %dma_wait3A_81 = tpu.memref_slice %arg5[%dma_wait3A, %dma_wait3A_80] : memref<50x128xi32, #tpu.memory_space<vmem>> -> memref<1x128xi32, #tpu.memory_space<vmem>>
      %dma_wait3A_82 = tpu.memref_squeeze %dma_wait3A_81 : memref<1x128xi32, #tpu.memory_space<vmem>> -> memref<128xi32, #tpu.memory_space<vmem>>
      %dma_wait3A_83 = arith.constant 0 : i32
      %dma_wait3A_84 = arith.constant 0 : i32
      %dma_wait3A_85 = tpu.memref_slice %arg3[%dma_wait3A_83, %dma_wait3A_84] : memref<1000000x64xf32, #tpu.memory_space<hbm>> -> memref<1000000x64xf32, #tpu.memory_space<hbm>>
      tpu.wait_indirect_dma semaphore(%arg7 : memref<!tpu.dma_semaphore, #tpu.memory_space<semaphore_mem>>) src(%dma_wait3A_85 : memref<1000000x64xf32, #tpu.memory_space<hbm>>) dst(%dma_wait3A_79 : memref<128x64xf32, #tpu.memory_space<vmem>>)
      %mul3A_86 = arith.constant 128 : i32
      %mul3A_87 = arith.muli %add3A_74, %mul3A_86 : i32
      %add3A_88 = arith.addi %mul3A_4, %mul3A_87 : i32
      %dma_start3A_89 = arith.constant 0 : i32
      %dma_start3A_90 = arith.constant 0 : i32
      %dma_start3A_91 = arith.constant 0 : i32
      %dma_start3A_92 = tpu.memref_slice %arg6[%dma_start3A_89, %dma_start3A_90, %dma_start3A_91] : memref<5x128x64xf32, #tpu.memory_space<vmem>> -> memref<1x128x64xf32, #tpu.memory_space<vmem>>
      %dma_start3A_93 = tpu.memref_squeeze %dma_start3A_92 : memref<1x128x64xf32, #tpu.memory_space<vmem>> -> memref<128x64xf32, #tpu.memory_space<vmem>>
      %dma_start3A_94 = arith.constant 0 : i32
      %dma_start3A_95 = tpu.memref_slice %arg4[%add3A_88, %dma_start3A_94] : memref<204800x64xf32, #tpu.memory_space<hbm>> -> memref<128x64xf32, #tpu.memory_space<hbm>>
      %dma_start3A_96 = arith.constant 0 : i32
      %dma_start3A_97 = tpu.memref_slice %arg4[%add3A_88, %dma_start3A_96] : memref<204800x64xf32, #tpu.memory_space<hbm>> -> memref<128x64xf32, #tpu.memory_space<hbm>>
      %dma_start3A_98 = arith.constant 0 : i32
      %dma_start3A_99 = arith.constant 0 : i32
      %dma_start3A_100 = tpu.memref_slice %arg6[%dma_start3A_89, %dma_start3A_98, %dma_start3A_99] : memref<5x128x64xf32, #tpu.memory_space<vmem>> -> memref<1x128x64xf32, #tpu.memory_space<vmem>>
      %dma_start3A_101 = tpu.memref_squeeze %dma_start3A_100 : memref<1x128x64xf32, #tpu.memory_space<vmem>> -> memref<128x64xf32, #tpu.memory_space<vmem>>
      tpu.enqueue_dma source(%dma_start3A_101 : memref<128x64xf32, #tpu.memory_space<vmem>>) target(%dma_start3A_97 : memref<128x64xf32, #tpu.memory_space<hbm>>) target_semaphore(%arg8 : memref<!tpu.dma_semaphore, #tpu.memory_space<semaphore_mem>>)
      %dma_wait3A_102 = arith.constant 0 : i32
      %dma_wait3A_103 = arith.constant 0 : i32
      %dma_wait3A_104 = arith.constant 0 : i32
      %dma_wait3A_105 = tpu.memref_slice %arg6[%dma_wait3A_102, %dma_wait3A_103, %dma_wait3A_104] : memref<5x128x64xf32, #tpu.memory_space<vmem>> -> memref<1x128x64xf32, #tpu.memory_space<vmem>>
      %dma_wait3A_106 = tpu.memref_squeeze %dma_wait3A_105 : memref<1x128x64xf32, #tpu.memory_space<vmem>> -> memref<128x64xf32, #tpu.memory_space<vmem>>
      %dma_wait3A_107 = arith.constant 0 : i32
      %dma_wait3A_108 = tpu.memref_slice %arg4[%add3A_88, %dma_wait3A_107] : memref<204800x64xf32, #tpu.memory_space<hbm>> -> memref<128x64xf32, #tpu.memory_space<hbm>>
      %dma_wait3A_109 = arith.constant 0 : i32
      %dma_wait3A_110 = tpu.memref_slice %arg4[%add3A_88, %dma_wait3A_109] : memref<204800x64xf32, #tpu.memory_space<hbm>> -> memref<128x64xf32, #tpu.memory_space<hbm>>
      %dma_wait3A_111 = arith.constant 0 : i32
      %dma_wait3A_112 = arith.constant 0 : i32
      %dma_wait3A_113 = tpu.memref_slice %arg6[%dma_wait3A_102, %dma_wait3A_111, %dma_wait3A_112] : memref<5x128x64xf32, #tpu.memory_space<vmem>> -> memref<1x128x64xf32, #tpu.memory_space<vmem>>
      %dma_wait3A_114 = tpu.memref_squeeze %dma_wait3A_113 : memref<1x128x64xf32, #tpu.memory_space<vmem>> -> memref<128x64xf32, #tpu.memory_space<vmem>>
      tpu.wait_dma2 semaphore(%arg8 : memref<!tpu.dma_semaphore, #tpu.memory_space<semaphore_mem>>) src(%dma_wait3A_114 : memref<128x64xf32, #tpu.memory_space<vmem>>) dst(%dma_wait3A_110 : memref<128x64xf32, #tpu.memory_space<hbm>>)
      %add3A_115 = arith.constant 5 : i32
      %add3A_116 = arith.addi %add3A_74, %add3A_115 : i32
      %lt3A = arith.constant 50 : i32
      %lt3A_117 = arith.cmpi slt, %add3A_116, %lt3A : i32
      %convert_element_type3A = arith.extui %lt3A_117 : i1 to i32
      %cond3A = arith.constant 0 : i32
      %cond3A_118 = arith.cmpi ne, %convert_element_type3A, %cond3A : i32
      scf.if %cond3A_118 {
        %add3A_319 = arith.constant 5 : i32
        %add3A_320 = arith.addi %add3A_74, %add3A_319 : i32
        %dma_start3A_321 = arith.constant 0 : i32
        %dma_start3A_322 = arith.constant 0 : i32
        %dma_start3A_323 = arith.constant 0 : i32
        %dma_start3A_324 = tpu.memref_slice %arg6[%dma_start3A_321, %dma_start3A_322, %dma_start3A_323] : memref<5x128x64xf32, #tpu.memory_space<vmem>> -> memref<1x128x64xf32, #tpu.memory_space<vmem>>
        %dma_start3A_325 = tpu.memref_squeeze %dma_start3A_324 : memref<1x128x64xf32, #tpu.memory_space<vmem>> -> memref<128x64xf32, #tpu.memory_space<vmem>>
        %dma_start3A_326 = arith.constant 0 : i32
        %dma_start3A_327 = tpu.memref_slice %arg5[%add3A_320, %dma_start3A_326] : memref<50x128xi32, #tpu.memory_space<vmem>> -> memref<1x128xi32, #tpu.memory_space<vmem>>
        %dma_start3A_328 = tpu.memref_squeeze %dma_start3A_327 : memref<1x128xi32, #tpu.memory_space<vmem>> -> memref<128xi32, #tpu.memory_space<vmem>>
        %dma_start3A_329 = arith.constant 0 : i32
        %dma_start3A_330 = arith.constant 0 : i32
        %dma_start3A_331 = tpu.memref_slice %arg3[%dma_start3A_329, %dma_start3A_330] : memref<1000000x64xf32, #tpu.memory_space<hbm>> -> memref<1000000x64xf32, #tpu.memory_space<hbm>>
        tpu.enqueue_indirect_dma source(%dma_start3A_331 : memref<1000000x64xf32, #tpu.memory_space<hbm>>) target(%dma_start3A_325 : memref<128x64xf32, #tpu.memory_space<vmem>>) offsets(%dma_start3A_328 : memref<128xi32, #tpu.memory_space<vmem>>) semaphore(%arg7 : memref<!tpu.dma_semaphore, #tpu.memory_space<semaphore_mem>>)
      } else {
      }
      %add3A_119 = arith.constant 1 : i32
      %add3A_120 = arith.addi %add3A_72, %add3A_119 : i32
      %dma_wait3A_121 = arith.constant 0 : i32
      %dma_wait3A_122 = arith.constant 1 : i32
      %dma_wait3A_123 = arith.constant 0 : i32
      %dma_wait3A_124 = arith.constant 0 : i32
      %dma_wait3A_125 = tpu.memref_slice %arg6[%dma_wait3A_122, %dma_wait3A_123, %dma_wait3A_124] : memref<5x128x64xf32, #tpu.memory_space<vmem>> -> memref<1x128x64xf32, #tpu.memory_space<vmem>>
      %dma_wait3A_126 = tpu.memref_squeeze %dma_wait3A_125 : memref<1x128x64xf32, #tpu.memory_space<vmem>> -> memref<128x64xf32, #tpu.memory_space<vmem>>
      %dma_wait3A_127 = arith.constant 0 : i32
      %dma_wait3A_128 = tpu.memref_slice %arg5[%dma_wait3A_121, %dma_wait3A_127] : memref<50x128xi32, #tpu.memory_space<vmem>> -> memref<1x128xi32, #tpu.memory_space<vmem>>
      %dma_wait3A_129 = tpu.memref_squeeze %dma_wait3A_128 : memref<1x128xi32, #tpu.memory_space<vmem>> -> memref<128xi32, #tpu.memory_space<vmem>>
      %dma_wait3A_130 = arith.constant 0 : i32
      %dma_wait3A_131 = arith.constant 0 : i32
      %dma_wait3A_132 = tpu.memref_slice %arg3[%dma_wait3A_130, %dma_wait3A_131] : memref<1000000x64xf32, #tpu.memory_space<hbm>> -> memref<1000000x64xf32, #tpu.memory_space<hbm>>
      tpu.wait_indirect_dma semaphore(%arg7 : memref<!tpu.dma_semaphore, #tpu.memory_space<semaphore_mem>>) src(%dma_wait3A_132 : memref<1000000x64xf32, #tpu.memory_space<hbm>>) dst(%dma_wait3A_126 : memref<128x64xf32, #tpu.memory_space<vmem>>)
      %mul3A_133 = arith.constant 128 : i32
      %mul3A_134 = arith.muli %add3A_120, %mul3A_133 : i32
      %add3A_135 = arith.addi %mul3A_4, %mul3A_134 : i32
      %dma_start3A_136 = arith.constant 1 : i32
      %dma_start3A_137 = arith.constant 0 : i32
      %dma_start3A_138 = arith.constant 0 : i32
      %dma_start3A_139 = tpu.memref_slice %arg6[%dma_start3A_136, %dma_start3A_137, %dma_start3A_138] : memref<5x128x64xf32, #tpu.memory_space<vmem>> -> memref<1x128x64xf32, #tpu.memory_space<vmem>>
      %dma_start3A_140 = tpu.memref_squeeze %dma_start3A_139 : memref<1x128x64xf32, #tpu.memory_space<vmem>> -> memref<128x64xf32, #tpu.memory_space<vmem>>
      %dma_start3A_141 = arith.constant 0 : i32
      %dma_start3A_142 = tpu.memref_slice %arg4[%add3A_135, %dma_start3A_141] : memref<204800x64xf32, #tpu.memory_space<hbm>> -> memref<128x64xf32, #tpu.memory_space<hbm>>
      %dma_start3A_143 = arith.constant 0 : i32
      %dma_start3A_144 = tpu.memref_slice %arg4[%add3A_135, %dma_start3A_143] : memref<204800x64xf32, #tpu.memory_space<hbm>> -> memref<128x64xf32, #tpu.memory_space<hbm>>
      %dma_start3A_145 = arith.constant 0 : i32
      %dma_start3A_146 = arith.constant 0 : i32
      %dma_start3A_147 = tpu.memref_slice %arg6[%dma_start3A_136, %dma_start3A_145, %dma_start3A_146] : memref<5x128x64xf32, #tpu.memory_space<vmem>> -> memref<1x128x64xf32, #tpu.memory_space<vmem>>
      %dma_start3A_148 = tpu.memref_squeeze %dma_start3A_147 : memref<1x128x64xf32, #tpu.memory_space<vmem>> -> memref<128x64xf32, #tpu.memory_space<vmem>>
      tpu.enqueue_dma source(%dma_start3A_148 : memref<128x64xf32, #tpu.memory_space<vmem>>) target(%dma_start3A_144 : memref<128x64xf32, #tpu.memory_space<hbm>>) target_semaphore(%arg8 : memref<!tpu.dma_semaphore, #tpu.memory_space<semaphore_mem>>)
      %dma_wait3A_149 = arith.constant 1 : i32
      %dma_wait3A_150 = arith.constant 0 : i32
      %dma_wait3A_151 = arith.constant 0 : i32
      %dma_wait3A_152 = tpu.memref_slice %arg6[%dma_wait3A_149, %dma_wait3A_150, %dma_wait3A_151] : memref<5x128x64xf32, #tpu.memory_space<vmem>> -> memref<1x128x64xf32, #tpu.memory_space<vmem>>
      %dma_wait3A_153 = tpu.memref_squeeze %dma_wait3A_152 : memref<1x128x64xf32, #tpu.memory_space<vmem>> -> memref<128x64xf32, #tpu.memory_space<vmem>>
      %dma_wait3A_154 = arith.constant 0 : i32
      %dma_wait3A_155 = tpu.memref_slice %arg4[%add3A_135, %dma_wait3A_154] : memref<204800x64xf32, #tpu.memory_space<hbm>> -> memref<128x64xf32, #tpu.memory_space<hbm>>
      %dma_wait3A_156 = arith.constant 0 : i32
      %dma_wait3A_157 = tpu.memref_slice %arg4[%add3A_135, %dma_wait3A_156] : memref<204800x64xf32, #tpu.memory_space<hbm>> -> memref<128x64xf32, #tpu.memory_space<hbm>>
      %dma_wait3A_158 = arith.constant 0 : i32
      %dma_wait3A_159 = arith.constant 0 : i32
      %dma_wait3A_160 = tpu.memref_slice %arg6[%dma_wait3A_149, %dma_wait3A_158, %dma_wait3A_159] : memref<5x128x64xf32, #tpu.memory_space<vmem>> -> memref<1x128x64xf32, #tpu.memory_space<vmem>>
      %dma_wait3A_161 = tpu.memref_squeeze %dma_wait3A_160 : memref<1x128x64xf32, #tpu.memory_space<vmem>> -> memref<128x64xf32, #tpu.memory_space<vmem>>
      tpu.wait_dma2 semaphore(%arg8 : memref<!tpu.dma_semaphore, #tpu.memory_space<semaphore_mem>>) src(%dma_wait3A_161 : memref<128x64xf32, #tpu.memory_space<vmem>>) dst(%dma_wait3A_157 : memref<128x64xf32, #tpu.memory_space<hbm>>)
      %add3A_162 = arith.constant 5 : i32
      %add3A_163 = arith.addi %add3A_120, %add3A_162 : i32
      %lt3A_164 = arith.constant 50 : i32
      %lt3A_165 = arith.cmpi slt, %add3A_163, %lt3A_164 : i32
      %convert_element_type3A_166 = arith.extui %lt3A_165 : i1 to i32
      %cond3A_167 = arith.constant 0 : i32
      %cond3A_168 = arith.cmpi ne, %convert_element_type3A_166, %cond3A_167 : i32
      scf.if %cond3A_168 {
        %add3A_319 = arith.constant 5 : i32
        %add3A_320 = arith.addi %add3A_120, %add3A_319 : i32
        %dma_start3A_321 = arith.constant 1 : i32
        %dma_start3A_322 = arith.constant 0 : i32
        %dma_start3A_323 = arith.constant 0 : i32
        %dma_start3A_324 = tpu.memref_slice %arg6[%dma_start3A_321, %dma_start3A_322, %dma_start3A_323] : memref<5x128x64xf32, #tpu.memory_space<vmem>> -> memref<1x128x64xf32, #tpu.memory_space<vmem>>
        %dma_start3A_325 = tpu.memref_squeeze %dma_start3A_324 : memref<1x128x64xf32, #tpu.memory_space<vmem>> -> memref<128x64xf32, #tpu.memory_space<vmem>>
        %dma_start3A_326 = arith.constant 0 : i32
        %dma_start3A_327 = tpu.memref_slice %arg5[%add3A_320, %dma_start3A_326] : memref<50x128xi32, #tpu.memory_space<vmem>> -> memref<1x128xi32, #tpu.memory_space<vmem>>
        %dma_start3A_328 = tpu.memref_squeeze %dma_start3A_327 : memref<1x128xi32, #tpu.memory_space<vmem>> -> memref<128xi32, #tpu.memory_space<vmem>>
        %dma_start3A_329 = arith.constant 0 : i32
        %dma_start3A_330 = arith.constant 0 : i32
        %dma_start3A_331 = tpu.memref_slice %arg3[%dma_start3A_329, %dma_start3A_330] : memref<1000000x64xf32, #tpu.memory_space<hbm>> -> memref<1000000x64xf32, #tpu.memory_space<hbm>>
        tpu.enqueue_indirect_dma source(%dma_start3A_331 : memref<1000000x64xf32, #tpu.memory_space<hbm>>) target(%dma_start3A_325 : memref<128x64xf32, #tpu.memory_space<vmem>>) offsets(%dma_start3A_328 : memref<128xi32, #tpu.memory_space<vmem>>) semaphore(%arg7 : memref<!tpu.dma_semaphore, #tpu.memory_space<semaphore_mem>>)
      } else {
      }
      %add3A_169 = arith.constant 2 : i32
      %add3A_170 = arith.addi %add3A_72, %add3A_169 : i32
      %dma_wait3A_171 = arith.constant 0 : i32
      %dma_wait3A_172 = arith.constant 2 : i32
      %dma_wait3A_173 = arith.constant 0 : i32
      %dma_wait3A_174 = arith.constant 0 : i32
      %dma_wait3A_175 = tpu.memref_slice %arg6[%dma_wait3A_172, %dma_wait3A_173, %dma_wait3A_174] : memref<5x128x64xf32, #tpu.memory_space<vmem>> -> memref<1x128x64xf32, #tpu.memory_space<vmem>>
      %dma_wait3A_176 = tpu.memref_squeeze %dma_wait3A_175 : memref<1x128x64xf32, #tpu.memory_space<vmem>> -> memref<128x64xf32, #tpu.memory_space<vmem>>
      %dma_wait3A_177 = arith.constant 0 : i32
      %dma_wait3A_178 = tpu.memref_slice %arg5[%dma_wait3A_171, %dma_wait3A_177] : memref<50x128xi32, #tpu.memory_space<vmem>> -> memref<1x128xi32, #tpu.memory_space<vmem>>
      %dma_wait3A_179 = tpu.memref_squeeze %dma_wait3A_178 : memref<1x128xi32, #tpu.memory_space<vmem>> -> memref<128xi32, #tpu.memory_space<vmem>>
      %dma_wait3A_180 = arith.constant 0 : i32
      %dma_wait3A_181 = arith.constant 0 : i32
      %dma_wait3A_182 = tpu.memref_slice %arg3[%dma_wait3A_180, %dma_wait3A_181] : memref<1000000x64xf32, #tpu.memory_space<hbm>> -> memref<1000000x64xf32, #tpu.memory_space<hbm>>
      tpu.wait_indirect_dma semaphore(%arg7 : memref<!tpu.dma_semaphore, #tpu.memory_space<semaphore_mem>>) src(%dma_wait3A_182 : memref<1000000x64xf32, #tpu.memory_space<hbm>>) dst(%dma_wait3A_176 : memref<128x64xf32, #tpu.memory_space<vmem>>)
      %mul3A_183 = arith.constant 128 : i32
      %mul3A_184 = arith.muli %add3A_170, %mul3A_183 : i32
      %add3A_185 = arith.addi %mul3A_4, %mul3A_184 : i32
      %dma_start3A_186 = arith.constant 2 : i32
      %dma_start3A_187 = arith.constant 0 : i32
      %dma_start3A_188 = arith.constant 0 : i32
      %dma_start3A_189 = tpu.memref_slice %arg6[%dma_start3A_186, %dma_start3A_187, %dma_start3A_188] : memref<5x128x64xf32, #tpu.memory_space<vmem>> -> memref<1x128x64xf32, #tpu.memory_space<vmem>>
      %dma_start3A_190 = tpu.memref_squeeze %dma_start3A_189 : memref<1x128x64xf32, #tpu.memory_space<vmem>> -> memref<128x64xf32, #tpu.memory_space<vmem>>
      %dma_start3A_191 = arith.constant 0 : i32
      %dma_start3A_192 = tpu.memref_slice %arg4[%add3A_185, %dma_start3A_191] : memref<204800x64xf32, #tpu.memory_space<hbm>> -> memref<128x64xf32, #tpu.memory_space<hbm>>
      %dma_start3A_193 = arith.constant 0 : i32
      %dma_start3A_194 = tpu.memref_slice %arg4[%add3A_185, %dma_start3A_193] : memref<204800x64xf32, #tpu.memory_space<hbm>> -> memref<128x64xf32, #tpu.memory_space<hbm>>
      %dma_start3A_195 = arith.constant 0 : i32
      %dma_start3A_196 = arith.constant 0 : i32
      %dma_start3A_197 = tpu.memref_slice %arg6[%dma_start3A_186, %dma_start3A_195, %dma_start3A_196] : memref<5x128x64xf32, #tpu.memory_space<vmem>> -> memref<1x128x64xf32, #tpu.memory_space<vmem>>
      %dma_start3A_198 = tpu.memref_squeeze %dma_start3A_197 : memref<1x128x64xf32, #tpu.memory_space<vmem>> -> memref<128x64xf32, #tpu.memory_space<vmem>>
      tpu.enqueue_dma source(%dma_start3A_198 : memref<128x64xf32, #tpu.memory_space<vmem>>) target(%dma_start3A_194 : memref<128x64xf32, #tpu.memory_space<hbm>>) target_semaphore(%arg8 : memref<!tpu.dma_semaphore, #tpu.memory_space<semaphore_mem>>)
      %dma_wait3A_199 = arith.constant 2 : i32
      %dma_wait3A_200 = arith.constant 0 : i32
      %dma_wait3A_201 = arith.constant 0 : i32
      %dma_wait3A_202 = tpu.memref_slice %arg6[%dma_wait3A_199, %dma_wait3A_200, %dma_wait3A_201] : memref<5x128x64xf32, #tpu.memory_space<vmem>> -> memref<1x128x64xf32, #tpu.memory_space<vmem>>
      %dma_wait3A_203 = tpu.memref_squeeze %dma_wait3A_202 : memref<1x128x64xf32, #tpu.memory_space<vmem>> -> memref<128x64xf32, #tpu.memory_space<vmem>>
      %dma_wait3A_204 = arith.constant 0 : i32
      %dma_wait3A_205 = tpu.memref_slice %arg4[%add3A_185, %dma_wait3A_204] : memref<204800x64xf32, #tpu.memory_space<hbm>> -> memref<128x64xf32, #tpu.memory_space<hbm>>
      %dma_wait3A_206 = arith.constant 0 : i32
      %dma_wait3A_207 = tpu.memref_slice %arg4[%add3A_185, %dma_wait3A_206] : memref<204800x64xf32, #tpu.memory_space<hbm>> -> memref<128x64xf32, #tpu.memory_space<hbm>>
      %dma_wait3A_208 = arith.constant 0 : i32
      %dma_wait3A_209 = arith.constant 0 : i32
      %dma_wait3A_210 = tpu.memref_slice %arg6[%dma_wait3A_199, %dma_wait3A_208, %dma_wait3A_209] : memref<5x128x64xf32, #tpu.memory_space<vmem>> -> memref<1x128x64xf32, #tpu.memory_space<vmem>>
      %dma_wait3A_211 = tpu.memref_squeeze %dma_wait3A_210 : memref<1x128x64xf32, #tpu.memory_space<vmem>> -> memref<128x64xf32, #tpu.memory_space<vmem>>
      tpu.wait_dma2 semaphore(%arg8 : memref<!tpu.dma_semaphore, #tpu.memory_space<semaphore_mem>>) src(%dma_wait3A_211 : memref<128x64xf32, #tpu.memory_space<vmem>>) dst(%dma_wait3A_207 : memref<128x64xf32, #tpu.memory_space<hbm>>)
      %add3A_212 = arith.constant 5 : i32
      %add3A_213 = arith.addi %add3A_170, %add3A_212 : i32
      %lt3A_214 = arith.constant 50 : i32
      %lt3A_215 = arith.cmpi slt, %add3A_213, %lt3A_214 : i32
      %convert_element_type3A_216 = arith.extui %lt3A_215 : i1 to i32
      %cond3A_217 = arith.constant 0 : i32
      %cond3A_218 = arith.cmpi ne, %convert_element_type3A_216, %cond3A_217 : i32
      scf.if %cond3A_218 {
        %add3A_319 = arith.constant 5 : i32
        %add3A_320 = arith.addi %add3A_170, %add3A_319 : i32
        %dma_start3A_321 = arith.constant 2 : i32
        %dma_start3A_322 = arith.constant 0 : i32
        %dma_start3A_323 = arith.constant 0 : i32
        %dma_start3A_324 = tpu.memref_slice %arg6[%dma_start3A_321, %dma_start3A_322, %dma_start3A_323] : memref<5x128x64xf32, #tpu.memory_space<vmem>> -> memref<1x128x64xf32, #tpu.memory_space<vmem>>
        %dma_start3A_325 = tpu.memref_squeeze %dma_start3A_324 : memref<1x128x64xf32, #tpu.memory_space<vmem>> -> memref<128x64xf32, #tpu.memory_space<vmem>>
        %dma_start3A_326 = arith.constant 0 : i32
        %dma_start3A_327 = tpu.memref_slice %arg5[%add3A_320, %dma_start3A_326] : memref<50x128xi32, #tpu.memory_space<vmem>> -> memref<1x128xi32, #tpu.memory_space<vmem>>
        %dma_start3A_328 = tpu.memref_squeeze %dma_start3A_327 : memref<1x128xi32, #tpu.memory_space<vmem>> -> memref<128xi32, #tpu.memory_space<vmem>>
        %dma_start3A_329 = arith.constant 0 : i32
        %dma_start3A_330 = arith.constant 0 : i32
        %dma_start3A_331 = tpu.memref_slice %arg3[%dma_start3A_329, %dma_start3A_330] : memref<1000000x64xf32, #tpu.memory_space<hbm>> -> memref<1000000x64xf32, #tpu.memory_space<hbm>>
        tpu.enqueue_indirect_dma source(%dma_start3A_331 : memref<1000000x64xf32, #tpu.memory_space<hbm>>) target(%dma_start3A_325 : memref<128x64xf32, #tpu.memory_space<vmem>>) offsets(%dma_start3A_328 : memref<128xi32, #tpu.memory_space<vmem>>) semaphore(%arg7 : memref<!tpu.dma_semaphore, #tpu.memory_space<semaphore_mem>>)
      } else {
      }
      %add3A_219 = arith.constant 3 : i32
      %add3A_220 = arith.addi %add3A_72, %add3A_219 : i32
      %dma_wait3A_221 = arith.constant 0 : i32
      %dma_wait3A_222 = arith.constant 3 : i32
      %dma_wait3A_223 = arith.constant 0 : i32
      %dma_wait3A_224 = arith.constant 0 : i32
      %dma_wait3A_225 = tpu.memref_slice %arg6[%dma_wait3A_222, %dma_wait3A_223, %dma_wait3A_224] : memref<5x128x64xf32, #tpu.memory_space<vmem>> -> memref<1x128x64xf32, #tpu.memory_space<vmem>>
      %dma_wait3A_226 = tpu.memref_squeeze %dma_wait3A_225 : memref<1x128x64xf32, #tpu.memory_space<vmem>> -> memref<128x64xf32, #tpu.memory_space<vmem>>
      %dma_wait3A_227 = arith.constant 0 : i32
      %dma_wait3A_228 = tpu.memref_slice %arg5[%dma_wait3A_221, %dma_wait3A_227] : memref<50x128xi32, #tpu.memory_space<vmem>> -> memref<1x128xi32, #tpu.memory_space<vmem>>
      %dma_wait3A_229 = tpu.memref_squeeze %dma_wait3A_228 : memref<1x128xi32, #tpu.memory_space<vmem>> -> memref<128xi32, #tpu.memory_space<vmem>>
      %dma_wait3A_230 = arith.constant 0 : i32
      %dma_wait3A_231 = arith.constant 0 : i32
      %dma_wait3A_232 = tpu.memref_slice %arg3[%dma_wait3A_230, %dma_wait3A_231] : memref<1000000x64xf32, #tpu.memory_space<hbm>> -> memref<1000000x64xf32, #tpu.memory_space<hbm>>
      tpu.wait_indirect_dma semaphore(%arg7 : memref<!tpu.dma_semaphore, #tpu.memory_space<semaphore_mem>>) src(%dma_wait3A_232 : memref<1000000x64xf32, #tpu.memory_space<hbm>>) dst(%dma_wait3A_226 : memref<128x64xf32, #tpu.memory_space<vmem>>)
      %mul3A_233 = arith.constant 128 : i32
      %mul3A_234 = arith.muli %add3A_220, %mul3A_233 : i32
      %add3A_235 = arith.addi %mul3A_4, %mul3A_234 : i32
      %dma_start3A_236 = arith.constant 3 : i32
      %dma_start3A_237 = arith.constant 0 : i32
      %dma_start3A_238 = arith.constant 0 : i32
      %dma_start3A_239 = tpu.memref_slice %arg6[%dma_start3A_236, %dma_start3A_237, %dma_start3A_238] : memref<5x128x64xf32, #tpu.memory_space<vmem>> -> memref<1x128x64xf32, #tpu.memory_space<vmem>>
      %dma_start3A_240 = tpu.memref_squeeze %dma_start3A_239 : memref<1x128x64xf32, #tpu.memory_space<vmem>> -> memref<128x64xf32, #tpu.memory_space<vmem>>
      %dma_start3A_241 = arith.constant 0 : i32
      %dma_start3A_242 = tpu.memref_slice %arg4[%add3A_235, %dma_start3A_241] : memref<204800x64xf32, #tpu.memory_space<hbm>> -> memref<128x64xf32, #tpu.memory_space<hbm>>
      %dma_start3A_243 = arith.constant 0 : i32
      %dma_start3A_244 = tpu.memref_slice %arg4[%add3A_235, %dma_start3A_243] : memref<204800x64xf32, #tpu.memory_space<hbm>> -> memref<128x64xf32, #tpu.memory_space<hbm>>
      %dma_start3A_245 = arith.constant 0 : i32
      %dma_start3A_246 = arith.constant 0 : i32
      %dma_start3A_247 = tpu.memref_slice %arg6[%dma_start3A_236, %dma_start3A_245, %dma_start3A_246] : memref<5x128x64xf32, #tpu.memory_space<vmem>> -> memref<1x128x64xf32, #tpu.memory_space<vmem>>
      %dma_start3A_248 = tpu.memref_squeeze %dma_start3A_247 : memref<1x128x64xf32, #tpu.memory_space<vmem>> -> memref<128x64xf32, #tpu.memory_space<vmem>>
      tpu.enqueue_dma source(%dma_start3A_248 : memref<128x64xf32, #tpu.memory_space<vmem>>) target(%dma_start3A_244 : memref<128x64xf32, #tpu.memory_space<hbm>>) target_semaphore(%arg8 : memref<!tpu.dma_semaphore, #tpu.memory_space<semaphore_mem>>)
      %dma_wait3A_249 = arith.constant 3 : i32
      %dma_wait3A_250 = arith.constant 0 : i32
      %dma_wait3A_251 = arith.constant 0 : i32
      %dma_wait3A_252 = tpu.memref_slice %arg6[%dma_wait3A_249, %dma_wait3A_250, %dma_wait3A_251] : memref<5x128x64xf32, #tpu.memory_space<vmem>> -> memref<1x128x64xf32, #tpu.memory_space<vmem>>
      %dma_wait3A_253 = tpu.memref_squeeze %dma_wait3A_252 : memref<1x128x64xf32, #tpu.memory_space<vmem>> -> memref<128x64xf32, #tpu.memory_space<vmem>>
      %dma_wait3A_254 = arith.constant 0 : i32
      %dma_wait3A_255 = tpu.memref_slice %arg4[%add3A_235, %dma_wait3A_254] : memref<204800x64xf32, #tpu.memory_space<hbm>> -> memref<128x64xf32, #tpu.memory_space<hbm>>
      %dma_wait3A_256 = arith.constant 0 : i32
      %dma_wait3A_257 = tpu.memref_slice %arg4[%add3A_235, %dma_wait3A_256] : memref<204800x64xf32, #tpu.memory_space<hbm>> -> memref<128x64xf32, #tpu.memory_space<hbm>>
      %dma_wait3A_258 = arith.constant 0 : i32
      %dma_wait3A_259 = arith.constant 0 : i32
      %dma_wait3A_260 = tpu.memref_slice %arg6[%dma_wait3A_249, %dma_wait3A_258, %dma_wait3A_259] : memref<5x128x64xf32, #tpu.memory_space<vmem>> -> memref<1x128x64xf32, #tpu.memory_space<vmem>>
      %dma_wait3A_261 = tpu.memref_squeeze %dma_wait3A_260 : memref<1x128x64xf32, #tpu.memory_space<vmem>> -> memref<128x64xf32, #tpu.memory_space<vmem>>
      tpu.wait_dma2 semaphore(%arg8 : memref<!tpu.dma_semaphore, #tpu.memory_space<semaphore_mem>>) src(%dma_wait3A_261 : memref<128x64xf32, #tpu.memory_space<vmem>>) dst(%dma_wait3A_257 : memref<128x64xf32, #tpu.memory_space<hbm>>)
      %add3A_262 = arith.constant 5 : i32
      %add3A_263 = arith.addi %add3A_220, %add3A_262 : i32
      %lt3A_264 = arith.constant 50 : i32
      %lt3A_265 = arith.cmpi slt, %add3A_263, %lt3A_264 : i32
      %convert_element_type3A_266 = arith.extui %lt3A_265 : i1 to i32
      %cond3A_267 = arith.constant 0 : i32
      %cond3A_268 = arith.cmpi ne, %convert_element_type3A_266, %cond3A_267 : i32
      scf.if %cond3A_268 {
        %add3A_319 = arith.constant 5 : i32
        %add3A_320 = arith.addi %add3A_220, %add3A_319 : i32
        %dma_start3A_321 = arith.constant 3 : i32
        %dma_start3A_322 = arith.constant 0 : i32
        %dma_start3A_323 = arith.constant 0 : i32
        %dma_start3A_324 = tpu.memref_slice %arg6[%dma_start3A_321, %dma_start3A_322, %dma_start3A_323] : memref<5x128x64xf32, #tpu.memory_space<vmem>> -> memref<1x128x64xf32, #tpu.memory_space<vmem>>
        %dma_start3A_325 = tpu.memref_squeeze %dma_start3A_324 : memref<1x128x64xf32, #tpu.memory_space<vmem>> -> memref<128x64xf32, #tpu.memory_space<vmem>>
        %dma_start3A_326 = arith.constant 0 : i32
        %dma_start3A_327 = tpu.memref_slice %arg5[%add3A_320, %dma_start3A_326] : memref<50x128xi32, #tpu.memory_space<vmem>> -> memref<1x128xi32, #tpu.memory_space<vmem>>
        %dma_start3A_328 = tpu.memref_squeeze %dma_start3A_327 : memref<1x128xi32, #tpu.memory_space<vmem>> -> memref<128xi32, #tpu.memory_space<vmem>>
        %dma_start3A_329 = arith.constant 0 : i32
        %dma_start3A_330 = arith.constant 0 : i32
        %dma_start3A_331 = tpu.memref_slice %arg3[%dma_start3A_329, %dma_start3A_330] : memref<1000000x64xf32, #tpu.memory_space<hbm>> -> memref<1000000x64xf32, #tpu.memory_space<hbm>>
        tpu.enqueue_indirect_dma source(%dma_start3A_331 : memref<1000000x64xf32, #tpu.memory_space<hbm>>) target(%dma_start3A_325 : memref<128x64xf32, #tpu.memory_space<vmem>>) offsets(%dma_start3A_328 : memref<128xi32, #tpu.memory_space<vmem>>) semaphore(%arg7 : memref<!tpu.dma_semaphore, #tpu.memory_space<semaphore_mem>>)
      } else {
      }
      %add3A_269 = arith.constant 4 : i32
      %add3A_270 = arith.addi %add3A_72, %add3A_269 : i32
      %dma_wait3A_271 = arith.constant 0 : i32
      %dma_wait3A_272 = arith.constant 4 : i32
      %dma_wait3A_273 = arith.constant 0 : i32
      %dma_wait3A_274 = arith.constant 0 : i32
      %dma_wait3A_275 = tpu.memref_slice %arg6[%dma_wait3A_272, %dma_wait3A_273, %dma_wait3A_274] : memref<5x128x64xf32, #tpu.memory_space<vmem>> -> memref<1x128x64xf32, #tpu.memory_space<vmem>>
      %dma_wait3A_276 = tpu.memref_squeeze %dma_wait3A_275 : memref<1x128x64xf32, #tpu.memory_space<vmem>> -> memref<128x64xf32, #tpu.memory_space<vmem>>
      %dma_wait3A_277 = arith.constant 0 : i32
      %dma_wait3A_278 = tpu.memref_slice %arg5[%dma_wait3A_271, %dma_wait3A_277] : memref<50x128xi32, #tpu.memory_space<vmem>> -> memref<1x128xi32, #tpu.memory_space<vmem>>
      %dma_wait3A_279 = tpu.memref_squeeze %dma_wait3A_278 : memref<1x128xi32, #tpu.memory_space<vmem>> -> memref<128xi32, #tpu.memory_space<vmem>>
      %dma_wait3A_280 = arith.constant 0 : i32
      %dma_wait3A_281 = arith.constant 0 : i32
      %dma_wait3A_282 = tpu.memref_slice %arg3[%dma_wait3A_280, %dma_wait3A_281] : memref<1000000x64xf32, #tpu.memory_space<hbm>> -> memref<1000000x64xf32, #tpu.memory_space<hbm>>
      tpu.wait_indirect_dma semaphore(%arg7 : memref<!tpu.dma_semaphore, #tpu.memory_space<semaphore_mem>>) src(%dma_wait3A_282 : memref<1000000x64xf32, #tpu.memory_space<hbm>>) dst(%dma_wait3A_276 : memref<128x64xf32, #tpu.memory_space<vmem>>)
      %mul3A_283 = arith.constant 128 : i32
      %mul3A_284 = arith.muli %add3A_270, %mul3A_283 : i32
      %add3A_285 = arith.addi %mul3A_4, %mul3A_284 : i32
      %dma_start3A_286 = arith.constant 4 : i32
      %dma_start3A_287 = arith.constant 0 : i32
      %dma_start3A_288 = arith.constant 0 : i32
      %dma_start3A_289 = tpu.memref_slice %arg6[%dma_start3A_286, %dma_start3A_287, %dma_start3A_288] : memref<5x128x64xf32, #tpu.memory_space<vmem>> -> memref<1x128x64xf32, #tpu.memory_space<vmem>>
      %dma_start3A_290 = tpu.memref_squeeze %dma_start3A_289 : memref<1x128x64xf32, #tpu.memory_space<vmem>> -> memref<128x64xf32, #tpu.memory_space<vmem>>
      %dma_start3A_291 = arith.constant 0 : i32
      %dma_start3A_292 = tpu.memref_slice %arg4[%add3A_285, %dma_start3A_291] : memref<204800x64xf32, #tpu.memory_space<hbm>> -> memref<128x64xf32, #tpu.memory_space<hbm>>
      %dma_start3A_293 = arith.constant 0 : i32
      %dma_start3A_294 = tpu.memref_slice %arg4[%add3A_285, %dma_start3A_293] : memref<204800x64xf32, #tpu.memory_space<hbm>> -> memref<128x64xf32, #tpu.memory_space<hbm>>
      %dma_start3A_295 = arith.constant 0 : i32
      %dma_start3A_296 = arith.constant 0 : i32
      %dma_start3A_297 = tpu.memref_slice %arg6[%dma_start3A_286, %dma_start3A_295, %dma_start3A_296] : memref<5x128x64xf32, #tpu.memory_space<vmem>> -> memref<1x128x64xf32, #tpu.memory_space<vmem>>
      %dma_start3A_298 = tpu.memref_squeeze %dma_start3A_297 : memref<1x128x64xf32, #tpu.memory_space<vmem>> -> memref<128x64xf32, #tpu.memory_space<vmem>>
      tpu.enqueue_dma source(%dma_start3A_298 : memref<128x64xf32, #tpu.memory_space<vmem>>) target(%dma_start3A_294 : memref<128x64xf32, #tpu.memory_space<hbm>>) target_semaphore(%arg8 : memref<!tpu.dma_semaphore, #tpu.memory_space<semaphore_mem>>)
      %dma_wait3A_299 = arith.constant 4 : i32
      %dma_wait3A_300 = arith.constant 0 : i32
      %dma_wait3A_301 = arith.constant 0 : i32
      %dma_wait3A_302 = tpu.memref_slice %arg6[%dma_wait3A_299, %dma_wait3A_300, %dma_wait3A_301] : memref<5x128x64xf32, #tpu.memory_space<vmem>> -> memref<1x128x64xf32, #tpu.memory_space<vmem>>
      %dma_wait3A_303 = tpu.memref_squeeze %dma_wait3A_302 : memref<1x128x64xf32, #tpu.memory_space<vmem>> -> memref<128x64xf32, #tpu.memory_space<vmem>>
      %dma_wait3A_304 = arith.constant 0 : i32
      %dma_wait3A_305 = tpu.memref_slice %arg4[%add3A_285, %dma_wait3A_304] : memref<204800x64xf32, #tpu.memory_space<hbm>> -> memref<128x64xf32, #tpu.memory_space<hbm>>
      %dma_wait3A_306 = arith.constant 0 : i32
      %dma_wait3A_307 = tpu.memref_slice %arg4[%add3A_285, %dma_wait3A_306] : memref<204800x64xf32, #tpu.memory_space<hbm>> -> memref<128x64xf32, #tpu.memory_space<hbm>>
      %dma_wait3A_308 = arith.constant 0 : i32
      %dma_wait3A_309 = arith.constant 0 : i32
      %dma_wait3A_310 = tpu.memref_slice %arg6[%dma_wait3A_299, %dma_wait3A_308, %dma_wait3A_309] : memref<5x128x64xf32, #tpu.memory_space<vmem>> -> memref<1x128x64xf32, #tpu.memory_space<vmem>>
      %dma_wait3A_311 = tpu.memref_squeeze %dma_wait3A_310 : memref<1x128x64xf32, #tpu.memory_space<vmem>> -> memref<128x64xf32, #tpu.memory_space<vmem>>
      tpu.wait_dma2 semaphore(%arg8 : memref<!tpu.dma_semaphore, #tpu.memory_space<semaphore_mem>>) src(%dma_wait3A_311 : memref<128x64xf32, #tpu.memory_space<vmem>>) dst(%dma_wait3A_307 : memref<128x64xf32, #tpu.memory_space<hbm>>)
      %add3A_312 = arith.constant 5 : i32
      %add3A_313 = arith.addi %add3A_270, %add3A_312 : i32
      %lt3A_314 = arith.constant 50 : i32
      %lt3A_315 = arith.cmpi slt, %add3A_313, %lt3A_314 : i32
      %convert_element_type3A_316 = arith.extui %lt3A_315 : i1 to i32
      %cond3A_317 = arith.constant 0 : i32
      %cond3A_318 = arith.cmpi ne, %convert_element_type3A_316, %cond3A_317 : i32
      scf.if %cond3A_318 {
        %add3A_319 = arith.constant 5 : i32
        %add3A_320 = arith.addi %add3A_270, %add3A_319 : i32
        %dma_start3A_321 = arith.constant 4 : i32
        %dma_start3A_322 = arith.constant 0 : i32
        %dma_start3A_323 = arith.constant 0 : i32
        %dma_start3A_324 = tpu.memref_slice %arg6[%dma_start3A_321, %dma_start3A_322, %dma_start3A_323] : memref<5x128x64xf32, #tpu.memory_space<vmem>> -> memref<1x128x64xf32, #tpu.memory_space<vmem>>
        %dma_start3A_325 = tpu.memref_squeeze %dma_start3A_324 : memref<1x128x64xf32, #tpu.memory_space<vmem>> -> memref<128x64xf32, #tpu.memory_space<vmem>>
        %dma_start3A_326 = arith.constant 0 : i32
        %dma_start3A_327 = tpu.memref_slice %arg5[%add3A_320, %dma_start3A_326] : memref<50x128xi32, #tpu.memory_space<vmem>> -> memref<1x128xi32, #tpu.memory_space<vmem>>
        %dma_start3A_328 = tpu.memref_squeeze %dma_start3A_327 : memref<1x128xi32, #tpu.memory_space<vmem>> -> memref<128xi32, #tpu.memory_space<vmem>>
        %dma_start3A_329 = arith.constant 0 : i32
        %dma_start3A_330 = arith.constant 0 : i32
        %dma_start3A_331 = tpu.memref_slice %arg3[%dma_start3A_329, %dma_start3A_330] : memref<1000000x64xf32, #tpu.memory_space<hbm>> -> memref<1000000x64xf32, #tpu.memory_space<hbm>>
        tpu.enqueue_indirect_dma source(%dma_start3A_331 : memref<1000000x64xf32, #tpu.memory_space<hbm>>) target(%dma_start3A_325 : memref<128x64xf32, #tpu.memory_space<vmem>>) offsets(%dma_start3A_328 : memref<128xi32, #tpu.memory_space<vmem>>) semaphore(%arg7 : memref<!tpu.dma_semaphore, #tpu.memory_space<semaphore_mem>>)
      } else {
      }
    }
    %scan3A_67 = arith.constant 10 : i32
    return
  }
}

</mosaic_0001>

<sc_bundles>
// kernel: kernel.3.cloned.1.call-start
scs
__scs_entry_jumppad:
0x0: {  	(pc) =	sbr.rel $0x88, $3  }
0x1: {  	(tag) =	ssettag $0x0;
	lr =	simm.s32 $0x1  }
0x2: {  	[smem:$0x3F9F] =	sst lr;
	_ =	strace $0xD0000000  }
0x3: {  	_ = 	snop  }
0x4: {  	_ = 	snop  }
0x5: {  	_ = 	snop  }
0x6: {  	_ = 	snop  }
0x7: {  	_ = 	snop  }
__scs_overlays_trampoline_lowered:
0x8: {  	[smem:$0x3FAE] =	sst s0  }
0x9: {  	[smem:$0x3FAF] =	sst s1  }
0xa: {  	[smem:$0x3FB0] =	sst s2  }
0xb: {  	[smem:$0x3FB1] =	sst s3  }
0xc: {  	[smem:$0x3FB2] =	sst s4  }
0xd: {  	[smem:$0x3FB3] =	sst s5  }
0xe: {  	[smem:$0x3FB4] =	sst s6  }
0xf: {  	[smem:$0x3FB5] =	sst s7  }
0x10: {  	[smem:$0x3FB6] =	sst s8  }
0x11: {  	[smem:$0x3FB7] =	sst s9;
	s0 =	simm.s32 @!p0 $0x0  }
0x12: {  	s1 =	sld [smem:$0x3F9D];
	s0 =	simm.s32 @p0 $0x1  }
0x13: {  	[smem:$0x3FB8] =	sst s0;
	s0 =	simm.s32 @!p1 $0x0  }
0x14: {  	s2 =	sld [smem:$0x3F9C];
	s0 =	simm.s32 @p1 $0x1  }
0x15: {  	[smem:$0x3FB9] =	sst s0;
	s0 =	simm.s32 @!p2 $0x0  }
0x16: {  	s3 =	sld [smem:$0x3FDB];
	s0 =	simm.s32 @p2 $0x1  }
0x17: {  	s4 =	simm.s32 $0x1BF5;
	[smem:$0x3FBB] =	sst s0  }
0x18: {  	s0 =	sld [smem:$0x3F9E];
	_ =	swait.ge [sflag:s4], $0x0  }
0x19: {  	s7 =	sld [smem:$0x3F9F]  }
0x1a: {  	s8 =	sadd.s32 $0xFFFFE003, lr  }
0x1b: {  	s9 =	sadd.s32 $0xFFFFFEF7, lr;
	s5 =	simm.s32 $0xFFFFFFFF;
	p2 =	slt.u32 s8, $0xFFFFF086  }
0x1c: {  	p1 =	slt.u32 s9, $0xF7A;
	s5 =	simm.s32 @!p2 $0x0  }
0x1d: {  	s5 =	simm.s32 @p1 $0x1;
	p0 =	seq.s32 s7, s2  }
0x1e: {  	s7 =	smul.u32 @!p0 $0xF7A, s2;
	p2 =	seq.s32 @!p0 s5, $0x0  }
0x1f: {  	s9 =	smul.u32 $0xF7A, s1;
	s8 =	simm.s32 @!p0 $0x1BF5;
	p2 =	por !p2, p0  }
0x20: {  	[sflag:s8] =	ssyncset.s32 @!p0 $0xFFFFF086;
	s6 =	sadd.s32 @!p0 s3, s7;
	s7 =	simm.s32 @!p0 $0x108  }
0x21: {  	s3 =	sadd.s32 s3, s9;
	s6 =	sadd.s32 @!p0 $0x88, s6;
	s7 =	simm.s32 @p2 $0x1082  }
0x22: {  	[simem:s7], [sflag:s8] =	dma.local @!p0 [hbm:s6], $0xF7A  }
0x23: {  	s9 =	sor.u32 $0xD0000000, s2;
	s6 =	simm.s32 $0x108;
	_ =	swait.ge @!p0 [sflag:s8], $0x0  }
0x24: {  	s3 =	sadd.s32 $0x88, s3;
	s6 =	simm.s32 @!p1 $0x1082;
	[sflag:s4] =	ssyncset.s32 $0xFFFFF086  }
0x25: {  	[simem:s6], [sflag:s4] =	dma.local [hbm:s3], $0xF7A  }
0x26: {  	[smem:$0x3F9F] =	sst s1;
	(tag) =	ssettag s2;
	_ =	strace s9  }
0x27: {  	s1 =	sld [smem:$0x3FAF]  }
0x28: {  	s2 =	sld [smem:$0x3FB0]  }
0x29: {  	s4 =	sld [smem:$0x3FB2]  }
0x2a: {  	p0 =	seq.s32 s5, $0x0;
	s5 =	sld [smem:$0x3FB3]  }
0x2b: {  	s6 =	sld [smem:$0x3FB4]  }
0x2c: {  	s7 =	sld [smem:$0x3FB5]  }
0x2d: {  	s3 =	simm.s32 $0x108;
	s8 =	sld [smem:$0x3FB6]  }
0x2e: {  	s3 =	simm.s32 @!p0 $0x1082;
	s9 =	sld [smem:$0x3FB7]  }
0x2f: {  	lr =	sadd.s32 s0, s3;
	s0 =	sld [smem:$0x3FAE]  }
0x30: {  	s3 =	sld [smem:$0x3FB1]  }
0x31: {  	[smem:$0x3FBA] =	sst s10  }
0x32: {  	s10 =	sld [smem:$0x3FB8];
	_ =	sdelay $0x3  }
0x33: {  	p0 =	seq.s32 s10, $0x1;
	s10 =	sld [smem:$0x3FBA];
	_ =	sdelay $0x3  }
0x34: {  	[smem:$0x3FBA] =	sst s10  }
0x35: {  	s10 =	sld [smem:$0x3FB9];
	_ =	sdelay $0x3  }
0x36: {  	p1 =	seq.s32 s10, $0x1;
	s10 =	sld [smem:$0x3FBA];
	_ =	sdelay $0x3  }
0x37: {  	[smem:$0x3FBA] =	sst s10  }
0x38: {  	s10 =	sld [smem:$0x3FBB]  }
0x39: {  	_ = 	snop;
	(pc) =	sbr.ind lr, $3  }
0x3a: {  	_ = 	snop  }
0x3b: {  	_ = 	snop  }
0x3c: {  	p2 =	seq.s32 s10, $0x1;
	s10 =	sld [smem:$0x3FBA]  }
0x3d: {  	_ =	shalt  }
0x3e: {  	_ =	shalt  }
0x3f: {  	_ =	shalt  }
0x40: {  	_ =	shalt  }
0x41: {  	_ =	shalt  }
0x42: {  	_ =	shalt  }
0x43: {  	_ =	shalt  }
0x44: {  	_ =	shalt  }
0x45: {  	_ =	shalt  }
0x46: {  	_ =	shalt  }
0x47: {  	_ =	shalt  }
0x48: {  	_ =	shalt  }
0x49: {  	_ =	shalt  }
0x4a: {  	_ =	shalt  }
0x4b: {  	_ =	shalt  }
0x4c: {  	_ =	shalt  }
0x4d: {  	_ =	shalt  }
0x4e: {  	_ =	shalt  }
0x4f: {  	_ =	shalt  }
0x50: {  	_ =	shalt  }
0x51: {  	_ =	shalt  }
0x52: {  	_ =	shalt  }
0x53: {  	_ =	shalt  }
0x54: {  	_ =	shalt  }
0x55: {  	_ =	shalt  }
0x56: {  	_ =	shalt  }
0x57: {  	_ =	shalt  }
0x58: {  	_ =	shalt  }
0x59: {  	_ =	shalt  }
0x5a: {  	_ =	shalt  }
0x5b: {  	_ =	shalt  }
0x5c: {  	_ =	shalt  }
0x5d: {  	_ =	shalt  }
0x5e: {  	_ =	shalt  }
0x5f: {  	_ =	shalt  }
0x60: {  	_ =	shalt  }
0x61: {  	_ =	shalt  }
0x62: {  	_ =	shalt  }
0x63: {  	_ =	shalt  }
0x64: {  	_ =	shalt  }
0x65: {  	_ =	shalt  }
0x66: {  	_ =	shalt  }
0x67: {  	_ =	shalt  }
0x68: {  	_ =	shalt  }
0x69: {  	_ =	shalt  }
0x6a: {  	_ =	shalt  }
0x6b: {  	_ =	shalt  }
0x6c: {  	_ =	shalt  }
0x6d: {  	_ =	shalt  }
0x6e: {  	_ =	shalt  }
0x6f: {  	_ =	shalt  }
0x70: {  	_ =	shalt  }
0x71: {  	_ =	shalt  }
0x72: {  	_ =	shalt  }
0x73: {  	_ =	shalt  }
0x74: {  	_ =	shalt  }
0x75: {  	_ =	shalt  }
0x76: {  	_ =	shalt  }
0x77: {  	_ =	shalt  }
0x78: {  	_ =	shalt  }
0x79: {  	_ =	shalt  }
0x7a: {  	_ =	shalt  }
0x7b: {  	_ =	shalt  }
0x7c: {  	_ =	shalt  }
0x7d: {  	_ =	shalt  }
0x7e: {  	_ =	shalt  }
0x7f: {  	_ =	shalt  }
0x80: {  	_ =	shalt  }
0x81: {  	_ =	shalt  }
0x82: {  	_ =	shalt  }
0x83: {  	_ =	shalt  }
0x84: {  	_ =	shalt  }
0x85: {  	_ =	shalt  }
0x86: {  	_ =	shalt  }
0x87: {  	_ =	shalt  }
.Lfunc_end0:
.L_simem_size_0:
called_computation.1_lowered:
.L_overlay_start_0:
0x88: {  	s2 =	sld [smem:$0x3FD9]  }
0x89: {  	s3 =	sld [smem:$0x3FFE];
	_ =	sdelay $0x1  }
0x8a: {  	s1 =	srdreg.scid  }
0x8b: {  	s0 =	sand.u32 $0x1, s1  }
0x8c: {  	s17 =	sshll.u32 s0, $0xA;
	s2 =	sadd.s32 s3, s2  }
0x8d: {  	s2 =	sadd.s32 s2, s17  }
0x8e: {  	[smem:$0x3FC6] =	sst s2  }
0x8f: {  	_ = 	snop  }
0x90: {  	s2 =	sld [smem:$0x3FD0];
	(tm) =	ssettm $0x1  }
0x91: {  	s18 =	sld [smem:$0x3FFB];
	_ =	sdelay $0x3  }
0x92: {  	_ =	strace s18  }
0x93: {  	s3 =	sld [smem:$0x3FFC];
	_ =	sdelay $0x3  }
0x94: {  	_ =	strace s3  }
0x95: {  	s3 =	sld [smem:$0x3FFD];
	_ =	sdelay $0x3  }
0x96: {  	_ =	strace s3  }
0x97: {  	_ =	strace $0x8FFFFFFF  }
0x98: {  	s19 =	sld [smem:$0x3FDB];
	_ =	sdelay $0x1  }
0x99: {  	s4 =	simm.s32 $_scs_section_size  }
0x9a: {  	s5 =	simm.s32 $_size__tile_overlayer_lowered;
	s6 =	simm.s32 $_tile_overlayer_lowered  }
0x9b: {  	s22 =	simm.s32 $0x1BFF;
	s21 =	sshll.u32 s6, $0x1;
	s3 =	sadd.s32 s4, s19  }
0x9c: {  	s7 =	simm.s32 $0x0;
	s20 =	sshll.u32 s5, $0x1;
	s5 =	sadd.s32 s21, s3  }
0x9d: {  	[timem:s7], [sflag:s22] =	dma.local [hbm:s5], s20  }
0x9e: {  	_ =	swait.ge [sflag:s22], s20  }
0x9f: {  	s4 =	ssub.s32 $0x0, s20;
	[sflag:s22] =	ssyncset.done $0x0  }
0xa0: {  	[sflag:s22] =	ssyncadd.s32 s4;
	_ =	sdelay $0x1  }
0xa1: {  	s23 =	simm.s32 $0x1B8B  }
0xa2: {  	_ =	swait.ge [sflag:s23], $0x1  }
0xa3: {  	[sflag:s23] =	ssyncset.done $0x0  }
0xa4: {  	s25 =	simm.s32 $0x1B8E;
	s24 =	sld [smem:$0x3FFE];
	[sflag:s23] =	ssyncadd.s32 $0xFFFFFFFF  }
0xa5: {  	s26 =	simm.s32 $execute0_lowered;
	[smem:$0x3FD2] =	sst s25  }
0xa6: {  	s5 =	sshll.u32 s26, $0x1;
	_ =	strace $0x80000046;
	[dreg:$0x1] =	wrdreg $0xFFFFFFFF  }
0xa7: {  	s28 =	simm.s32 $_size_execute0_lowered;
	s3 =	sadd.s32 s3, s5;
	[dreg:$0x0] =	wrdreg $0x0  }
0xa8: {  	s5 =	sshll.u32 s28, $0x1;
	[dreg:$0x2] =	wrdreg s3  }
0xa9: {  	[dreg:$0x3] =	wrdreg s5  }
0xaa: {  	[dreg:$0x4] =	wrdreg $0xC0  }
0xab: {  	_ =	task [dreg:s7], $0x5FFFF  }
0xac: {  	[dreg:$0x1] =	wrdreg $0xFFFFFFFF  }
0xad: {  	[dreg:$0x0] =	wrdreg $0x60  }
0xae: {  	[dreg:$0x2] =	wrdreg s24  }
0xaf: {  	[dreg:$0x3] =	wrdreg s2  }
0xb0: {  	[dreg:$0x4] =	wrdreg $0x9  }
0xb1: {  	_ =	task.clear_ibuf [dreg:s7], $0x5FFFF;
	_ =	strace $0x90000046  }
0xb2: {  	s29 =	simm.s32 $0x9;
	_ =	strace $0x80000048  }
0xb3: {  	_ =	swait.ge [sflag:s29], $0x1  }
0xb4: {  	[sflag:s29] =	ssyncadd.s32 $0xFFFFFFFF  }
0xb5: {  	_ =	strace $0x90000048  }
0xb6: {  	_ =	sfence  }
0xb7: {  	s30 =	sld [smem:$0x0];
	_ =	sdelay $0x2  }
0xb8: {  	s31 =	sshll.u32 s1, $0xD;
	s1 =	sshrl.u32 s1, $0x2  }
0xb9: {  	s3 =	sand.u32 $0x4000, s31;
	s1 =	sadd.s32 s1, s30  }
0xba: {  	s0 =	sor.u32 s3, s0;
	s1 =	sshll.u32 s1, $0x11  }
0xbb: {  	s0 =	sor.u32 s1, s0  }
0xbc: {  	s0 =	sadd.s32 $0x8F2B, s0  }
0xbd: {  	[sflag:s0] =	ssyncadd.remote.s32 $0x1  }
0xbe: {  	_ =	sfence.sel $0xFFFF  }
0xbf: {  	[dreg:$0x0] =	wrdreg $0xFFFFFFFF;
	(pc) =	sbr.abs _section_cstart, $3  }
0xc0: {  	[dreg:$0x1] =	wrdreg $0xFFFFFFFF  }
0xc1: {  	_ =	task.clear_ibuf [dreg:s7], $0x2FFFF;
	_ =	strace $0x9FFFFFFF  }
0xc2: {  	(tm) =	ssettm $0x7FFFFFFF  }
0xc3: {  	_ =	shalt  }
tec
execute0_lowered:
.L_overlay_start_1:
0x0: {  	(tag) =	ssettag $0x1  }
0x1: {  	s1 =	srdreg.scid  }
0x2: {  	s0 =	stileid.u32;
	s3 =	rddreg [dreg:$0x0]  }
0x3: {  	s9 =	rddreg [dreg:$0x1];
	s2 =	simm.s32 $0x0;
	s13 =	simm.s32 $0x1900  }
0x4: {  	s14 =	simm.s32 $0x3900;
	s16 =	simm.s32 $0x5900;
	s17 =	simm.s32 $0x180  }
0x5: {  	s18 =	simm.s32 $0x7900;
	s19 =	simm.s32 $0x200;
	s20 =	simm.s32 $0x9900  }
0x6: {  	s21 =	simm.s32 $0x1;
	s22 =	simm.s32 $0x2;
	s5 =	smul.u32 $0x3200, s0  }
0x7: {  	s23 =	simm.s32 $0x0;
	s7 =	sand.u32 $0x1, s1;
	s11 =	smul.u32 $0x19000, s0  }
0x8: {  	s29 =	sshll.u32 s0, $0x1;
	[smem:$0x7FF] =	sst s2;
	s6 =	smul.u32 $0x1900, s7  }
0x9: {  	s1 =	sor.u32 s7, s29;
	s8 =	ssub.s32 $0x2, s7;
	s12 =	smul.u32 $0xC800, s7  }
0xa: {  	_ =	strace $0x80000047;
	s4 =	smul.u32 $0x1900, s1;
	s10 =	sshrl.u32 s8, $0x1  }
0xb: {  	s11 =	sadd.s32 s11, s9;
	s5 =	sadd.s32 s6, s5;
	s30 =	ssub.s32 s8, s10  }
.Ltmp0:
0xc: {  	s10 =	sadd.s32 s12, s11;
	s11 =	simm.s32 $0x3;
	(pc) =	sbr.rel .LBB2_1-.Ltmp0, $4  }
0xd: {  	s12 =	simm.s32 $0x80;
	s4 =	sshrl.u32 s4, $0x3;
	s5 =	sshll.u32 s5, $0x3  }
0xe: {  	s4 =	sadd.s32 s4, s3;
	s3 =	sadd.s32 $0xF42E00, s3;
	s31 =	sadd.s32 s5, s9  }
0xf: {  	s5 =	smax.u32 s30, $0x1;
	s4 =	sadd.s32 $0xA00, s4;
	s6 =	sadd.s32 $0x1000, s31  }
0x10: {  	s7 =	sadd.s32 $0xC00, s31;
	s8 =	sadd.s32 $0x800, s31;
	s9 =	sadd.s32 $0x400, s31  }
.LBB2_4:
0x11: {  	s23 =	sadd.s32 $0x1, s23  }
0x12: {  	p0 =	sne.s32 s23, s5  }
.Ltmp1:
0x13: {  	_ = 	snop;
	(pc) =	sbr.rel @!p0 .LBB2_5-.Ltmp1, $1  }
0x14: {  	_ =	sdelay $0x3  }
.LBB2_1:
0x15: {  	[tilespmem:s2], [sflag:$0x3] =	stream.linear.gather [hbm4b:s4+s2], $0x1900, $0x38;
	[tilespmem:$0xB900] =	vst v63  }
0x16: {  	_ =	swait.ge [sflag:s11], $0x1900  }
0x17: {  	[sflag:s11] =	ssyncset.done $0x0  }
0x18: {  	[sflag:s11] =	ssyncadd.s32 $0xFFFFE700  }
0x19: {  	[tilespmem:s13], [sflag:$0x1] =	stream.indirect.gather [hbm4b:s3+s12], $0x40, s2, s12, $0xb8;
	[tilespmem:$0xB900] =	vst v63  }
0x1a: {  	_ = 	snop  }
0x1b: {  	[tilespmem:s14], [sflag:$0x1] =	stream.indirect.gather [hbm4b:s3+s12], $0x40, s12, s12, $0xb8;
	[tilespmem:$0xB900] =	vst v63  }
0x1c: {  	s0 =	simm.s32 $0x100  }
0x1d: {  	[tilespmem:s16], [sflag:$0x1] =	stream.indirect.gather [hbm4b:s3+s12], $0x40, s0, s12, $0xb8;
	[tilespmem:$0xB900] =	vst v63  }
0x1e: {  	s24 =	smov.u32 s10;
	s25 =	smov.u32 s9;
	s26 =	smov.u32 s8  }
0x1f: {  	[tilespmem:s18], [sflag:$0x1] =	stream.indirect.gather [hbm4b:s3+s12], $0x40, s17, s12, $0xb8;
	[tilespmem:$0xB900] =	vst v63  }
0x20: {  	s28 =	smov.u32 s7;
	s29 =	smov.u32 s6;
	s30 =	simm.s32 $0x0  }
0x21: {  	[tilespmem:s20], [sflag:$0x1] =	stream.indirect.gather [hbm4b:s3+s12], $0x40, s19, s12, $0xb8;
	[tilespmem:$0xB900] =	vst v63  }
.LBB2_2:
0x22: {  	_ =	swait.ge [sflag:s21], $0x2000  }
0x23: {  	[sflag:s21] =	ssyncset.done $0x0  }
0x24: {  	[sflag:s21] =	ssyncadd.s32 $0xFFFFE000  }
0x25: {  	[hbm4b:s24+s2] =	stream.linear.scatter [tilespmem:s13], [sflag:$0x2], $0x2000, $0x38;
	[tilespmem:$0xB900] =	vst v63  }
0x26: {  	p0 =	seq.s32 s30, $0x5A00;
	_ =	swait.ge [sflag:s22], $0x2000  }
0x27: {  	s31 =	sshra.s32 @!p0 s30, $0x2;
	s0 =	simm.s32 @!p0 $0x80;
	[sflag:s22] =	ssyncset.done $0x0  }
0x28: {  	s15 =	simm.s32 @!p0 $0x1900;
	s1 =	sadd.s32 @!p0 $0x280, s31;
	[sflag:s22] =	ssyncadd.s32 $0xFFFFE000  }
0x29: {  	[tilespmem:s15], [sflag:$0x1] =	stream.indirect.gather @!p0 [hbm4b:s3+s0], $0x40, s1, s0, $0xb8;
	[tilespmem:$0xB900] =	vst v63  }
0x2a: {  	_ =	swait.ge [sflag:s21], $0x2000  }
0x2b: {  	[sflag:s21] =	ssyncset.done $0x0  }
0x2c: {  	[sflag:s21] =	ssyncadd.s32 $0xFFFFE000  }
0x2d: {  	[hbm4b:s25+s2] =	stream.linear.scatter [tilespmem:s14], [sflag:$0x2], $0x2000, $0x38;
	[tilespmem:$0xB900] =	vst v63  }
0x2e: {  	_ =	swait.ge [sflag:s22], $0x2000  }
0x2f: {  	[sflag:s22] =	ssyncset.done $0x0  }
0x30: {  	s1 =	sadd.s32 @!p0 $0x300, s31;
	s15 =	simm.s32 @!p0 $0x3900;
	[sflag:s22] =	ssyncadd.s32 $0xFFFFE000  }
0x31: {  	[tilespmem:s15], [sflag:$0x1] =	stream.indirect.gather @!p0 [hbm4b:s3+s0], $0x40, s1, s0, $0xb8;
	[tilespmem:$0xB900] =	vst v63  }
0x32: {  	_ =	swait.ge [sflag:s21], $0x2000  }
0x33: {  	[sflag:s21] =	ssyncset.done $0x0  }
0x34: {  	[sflag:s21] =	ssyncadd.s32 $0xFFFFE000  }
0x35: {  	[hbm4b:s26+s2] =	stream.linear.scatter [tilespmem:s16], [sflag:$0x2], $0x2000, $0x38;
	[tilespmem:$0xB900] =	vst v63  }
0x36: {  	_ =	swait.ge [sflag:s22], $0x2000  }
0x37: {  	[sflag:s22] =	ssyncset.done $0x0  }
0x38: {  	s1 =	sadd.s32 @!p0 $0x380, s31;
	s15 =	simm.s32 @!p0 $0x5900;
	[sflag:s22] =	ssyncadd.s32 $0xFFFFE000  }
0x39: {  	[tilespmem:s15], [sflag:$0x1] =	stream.indirect.gather @!p0 [hbm4b:s3+s0], $0x40, s1, s0, $0xb8;
	[tilespmem:$0xB900] =	vst v63  }
0x3a: {  	_ =	swait.ge [sflag:s21], $0x2000  }
0x3b: {  	[sflag:s21] =	ssyncset.done $0x0  }
0x3c: {  	[sflag:s21] =	ssyncadd.s32 $0xFFFFE000  }
0x3d: {  	[hbm4b:s28+s2] =	stream.linear.scatter [tilespmem:s18], [sflag:$0x2], $0x2000, $0x38;
	[tilespmem:$0xB900] =	vst v63  }
0x3e: {  	_ =	swait.ge [sflag:s22], $0x2000  }
0x3f: {  	[sflag:s22] =	ssyncset.done $0x0  }
0x40: {  	s1 =	sadd.s32 @!p0 $0x400, s31;
	s15 =	simm.s32 @!p0 $0x7900;
	[sflag:s22] =	ssyncadd.s32 $0xFFFFE000  }
0x41: {  	[tilespmem:s15], [sflag:$0x1] =	stream.indirect.gather @!p0 [hbm4b:s3+s0], $0x40, s1, s0, $0xb8;
	[tilespmem:$0xB900] =	vst v63  }
0x42: {  	_ =	swait.ge [sflag:s21], $0x2000  }
0x43: {  	[sflag:s21] =	ssyncset.done $0x0  }
.Ltmp2:
0x44: {  	[sflag:s21] =	ssyncadd.s32 $0xFFFFE000;
	(pc) =	sbr.rel @p0 .LBB2_4-.Ltmp2, $4  }
0x45: {  	[hbm4b:s29+s2] =	stream.linear.scatter [tilespmem:s20], [sflag:$0x2], $0x2000, $0x38;
	[tilespmem:$0xB900] =	vst v63  }
0x46: {  	_ =	swait.ge [sflag:s22], $0x2000  }
0x47: {  	[sflag:s22] =	ssyncset.done $0x0  }
0x48: {  	[sflag:s22] =	ssyncadd.s32 $0xFFFFE000  }
.Ltmp3:
0x49: {  	(pc) =	sbr.rel .LBB2_2-.Ltmp3, $4  }
0x4a: {  	s0 =	sshra.s32 s30, $0x2;
	s30 =	sadd.s32 $0xA00, s30  }
0x4b: {  	s29 =	sadd.s32 $0x1400, s29;
	s28 =	sadd.s32 $0x1400, s28;
	s26 =	sadd.s32 $0x1400, s26  }
0x4c: {  	s25 =	sadd.s32 $0x1400, s25;
	s24 =	sadd.s32 $0x1400, s24;
	s0 =	sadd.s32 $0x480, s0  }
0x4d: {  	[tilespmem:s20], [sflag:$0x1] =	stream.indirect.gather [hbm4b:s3+s12], $0x40, s0, s12, $0xb8;
	[tilespmem:$0xB900] =	vst v63  }
.LBB2_5:
0x4e: {  	_ =	sfence.sel $0x180000  }
0x4f: {  	[bflag:$0x0] =	sbarrier.arrive $0xFFFF  }
0x50: {  	_ =	strace $0x90000047  }
0x51: {  	s0 =	stileid.u32;
	[bflag:$0x2] =	sbarrier.arrive $0xFFFF  }
0x52: {  	p0 =	sne.s32 s0, $0x0;
	s0 =	rddreg [dreg:$0x2]  }
0x53: {  	s0 =	sadd.s32 @!p0 $0x100000, s0  }
0x54: {  	[sflag:s0] =	ssyncadd.tile.s32 @!p0 $0x1;
	_ =	shalt  }
.Lfunc_end2:
_tile_overlayer_lowered:
.L_overlay_start_2:
0x55: {  	(tag) =	ssettag $0x2  }
0x56: {  	s0 =	rddreg [dreg:$0x0];
	s2 =	stileid.u32  }
0x57: {  	s1 =	rddreg [dreg:$0x1];
	p0 =	sne.s32 s2, $0x0  }
0x58: {  	s3 =	rddreg [dreg:$0x2];
	[bflag:$0x3] =	sbarrier.arrive $0xFFFF;
	s2 =	simm.s32 @!p0 $0x1C03  }
0x59: {  	[timem:s3], [sflag:s2] =	dma.local @!p0 [hbm:s0], s1  }
0x5a: {  	s0 =	simm.s32 @!p0 $0x3  }
0x5b: {  	_ =	swait.ge @!p0 [sflag:s0], s1  }
0x5c: {  	s1 =	ssub.s32 @!p0 $0x0, s1;
	[sflag:s0] =	ssyncset.done @!p0 $0x0  }
0x5d: {  	[sflag:s0] =	ssyncadd.s32 @!p0 s1  }
0x5e: {  	[bflag:$0x3] =	sbarrier.arrive $0xFFFF  }
0x5f: {  	_ =	shalt  }

// kernel: sparse-core-data-format-call.cloned.1.call-start
scs
called_computation_lowered:
.L_overlay_start_0:
0x0: {  	s2 =	sld [smem:$0x3FD9]  }
0x1: {  	s3 =	sld [smem:$0x3FFE];
	_ =	sdelay $0x1  }
0x2: {  	s1 =	srdreg.scid  }
0x3: {  	s0 =	sand.u32 $0x1, s1  }
0x4: {  	s18 =	sshll.u32 s0, $0xA;
	s2 =	sadd.s32 s3, s2  }
0x5: {  	s2 =	sadd.s32 s2, s18  }
0x6: {  	[smem:$0x3FC6] =	sst s2  }
0x7: {  	_ = 	snop  }
0x8: {  	s2 =	sld [smem:$0x3FD0];
	(tm) =	ssettm $0x1  }
0x9: {  	s19 =	sld [smem:$0x3FFB];
	_ =	sdelay $0x3  }
0xa: {  	_ =	strace s19  }
0xb: {  	s3 =	sld [smem:$0x3FFC];
	_ =	sdelay $0x3  }
0xc: {  	_ =	strace s3  }
0xd: {  	s3 =	sld [smem:$0x3FFD];
	_ =	sdelay $0x3  }
0xe: {  	_ =	strace s3  }
0xf: {  	_ =	strace $0x8FFFFFFF  }
0x10: {  	s20 =	sld [smem:$0x3FDB];
	_ =	sdelay $0x1  }
0x11: {  	s4 =	simm.s32 $_scs_section_size  }
0x12: {  	s5 =	simm.s32 $_size__tile_overlayer_lowered;
	s6 =	simm.s32 $_tile_overlayer_lowered  }
0x13: {  	s23 =	simm.s32 $0x1BFF;
	s22 =	sshll.u32 s6, $0x1;
	s3 =	sadd.s32 s4, s20  }
0x14: {  	s7 =	simm.s32 $0x0;
	s21 =	sshll.u32 s5, $0x1;
	s5 =	sadd.s32 s22, s3  }
0x15: {  	[timem:s7], [sflag:s23] =	dma.local [hbm:s5], s21  }
0x16: {  	_ =	swait.ge [sflag:s23], s21  }
0x17: {  	s4 =	ssub.s32 $0x0, s21;
	[sflag:s23] =	ssyncset.done $0x0  }
0x18: {  	[sflag:s23] =	ssyncadd.s32 s4;
	_ =	sdelay $0x1  }
0x19: {  	s24 =	simm.s32 $0x1B8B  }
0x1a: {  	_ =	swait.ge [sflag:s24], $0x1  }
0x1b: {  	[sflag:s24] =	ssyncset.done $0x0  }
0x1c: {  	s26 =	simm.s32 $0x1B8E;
	s25 =	sld [smem:$0x3FFE];
	[sflag:s24] =	ssyncadd.s32 $0xFFFFFFFF  }
0x1d: {  	s27 =	simm.s32 $execute0_lowered;
	[smem:$0x3FD2] =	sst s26  }
0x1e: {  	s5 =	sshll.u32 s27, $0x1;
	_ =	strace $0x80000049;
	[dreg:$0x1] =	wrdreg $0xFFFFFFFF  }
0x1f: {  	s28 =	simm.s32 $_size_execute0_lowered;
	s3 =	sadd.s32 s3, s5;
	[dreg:$0x0] =	wrdreg $0x0  }
0x20: {  	s5 =	sshll.u32 s28, $0x1;
	[dreg:$0x2] =	wrdreg s3  }
0x21: {  	[dreg:$0x3] =	wrdreg s5  }
0x22: {  	[dreg:$0x4] =	wrdreg $0xC0  }
0x23: {  	_ =	task [dreg:s7], $0x5FFFF  }
0x24: {  	[dreg:$0x1] =	wrdreg $0xFFFFFFFF  }
0x25: {  	[dreg:$0x0] =	wrdreg $0x60  }
0x26: {  	[dreg:$0x2] =	wrdreg s25  }
0x27: {  	[dreg:$0x3] =	wrdreg s2  }
0x28: {  	[dreg:$0x4] =	wrdreg $0x9  }
0x29: {  	_ =	task.clear_ibuf [dreg:s7], $0x5FFFF;
	_ =	strace $0x90000049  }
0x2a: {  	s29 =	simm.s32 $0x9;
	_ =	strace $0x8000004B  }
0x2b: {  	_ =	swait.ge [sflag:s29], $0x1  }
0x2c: {  	[sflag:s29] =	ssyncadd.s32 $0xFFFFFFFF  }
0x2d: {  	_ =	strace $0x9000004B  }
0x2e: {  	_ =	sfence  }
0x2f: {  	s30 =	sld [smem:$0x0];
	_ =	sdelay $0x2  }
0x30: {  	s31 =	sshll.u32 s1, $0xD;
	s1 =	sshrl.u32 s1, $0x2  }
0x31: {  	s3 =	sand.u32 $0x4000, s31;
	s1 =	sadd.s32 s1, s30  }
0x32: {  	s0 =	sor.u32 s3, s0;
	s1 =	sshll.u32 s1, $0x11  }
0x33: {  	s0 =	sor.u32 s1, s0  }
0x34: {  	s0 =	sadd.s32 $0x8F2B, s0  }
0x35: {  	[sflag:s0] =	ssyncadd.remote.s32 $0x1  }
0x36: {  	_ =	sfence.sel $0xFFFF  }
0x37: {  	[dreg:$0x0] =	wrdreg $0xFFFFFFFF;
	(pc) =	sbr.abs _section_cstart, $3  }
0x38: {  	[dreg:$0x1] =	wrdreg $0xFFFFFFFF  }
0x39: {  	_ =	task.clear_ibuf [dreg:s7], $0x2FFFF;
	_ =	strace $0x9FFFFFFF  }
0x3a: {  	(tm) =	ssettm $0x7FFFFFFF  }
0x3b: {  	_ =	shalt  }
tec
execute0_lowered:
.L_overlay_start_1:
0x0: {  	(tag) =	ssettag $0x1  }
0x1: {  	s0 =	srdreg.scid  }
0x2: {  	s1 =	sshll.u32 s0, $0x4  }
0x3: {  	s0 =	stileid.u32;
	s1 =	sand.u32 $0x10, s1  }
0x4: {  	s1 =	sor.u32 s0, s1  }
0x5: {  	s6 =	rddreg [dreg:$0x0];
	s4 =	simm.s32 $0x1;
	s2 =	sshll.u32 s1, $0x7  }
0x6: {  	s7 =	simm.s32 $0x2;
	s12 =	simm.s32 $0x0;
	s1 =	ssub.s32 $0x1000, s2  }
0x7: {  	s8 =	simm.s32 $0x8000;
	s13 =	simm.s32 $0x0;
	s3 =	sand.u32 $0xF80, s1  }
0x8: {  	s9 =	simm.s32 $0x0;
	s5 =	sshrl.u32 s1, $0xC;
	p0 =	sne.s32 s3, $0x0  }
.Ltmp0:
0x9: {  	s1 =	rddreg [dreg:$0x2];
	s4 =	simm.s32 @!p0 $0x0;
	(pc) =	sbr.rel .LBB1_1-.Ltmp0, $4  }
0xa: {  	s11 =	simm.s32 $0x0;
	s3 =	rddreg [dreg:$0x1];
	s5 =	sadd.s32 s4, s5  }
0xb: {  	_ =	strace $0x8000004A;
	s4 =	simm.s32 $0x1;
	s5 =	smul.u32 $0x32, s5  }
0xc: {  	s6 =	sadd.s32 $0xA00, s6;
	s10 =	smov.u32 s2;
	[sflag:s4] =	ssyncpa.u1 $0x0  }
0xd: {  	p0 =	por $0x0, $0x0;
	[sflag:s7] =	ssyncpa.u1 $0x0;
	s7 =	sor.u32 $0x1, s5  }
.LBB1_4:
0xe: {  	s16 =	sshll.u32 s13, $0x3;
	s17 =	sand.u32 $0x78, s13  }
0xf: {  	s30 =	sand.u32 $0x7E00, s13;
	s12 =	sshll.u32 s12, $0xF;
	s16 =	sand.u32 $0xC00, s16  }
0x10: {  	[tilespmem:s15+$0x810 ss:$0x81] =	vst.msk $0xffff, v2;
	s31 =	sand.u32 $0x7, s13;
	s16 =	sor.u32 s17, s16;
	s17 =	sadd.s32 s3, s30  }
0x11: {  	[tilespmem:s15+$0x1020 ss:$0x81] =	vst.msk $0xffff, v0;
	s13 =	sshll.u32 s31, $0x12;
	s12 =	sadd.s32 s12, s17;
	s16 =	sshrl.u32 s16, $0x3  }
0x12: {  	[tilespmem:s15+$0x0 ss:$0x81] =	vst.msk $0xffff, v1;
	s13 =	sor.u32 $0x400, s13;
	s12 =	sadd.s32 s16, s12  }
0x13: {  	[hbm4b:s12+s13] =	stream.strided.scatter [tilespmem:s14], [sflag:$0x2], $0x2000, s8, s13, $0x20;
	[tilespmem:$0x8080] =	vst v63  }
.LBB1_5:
0x14: {  	s14 =	sadd.s32 $0x1, s9  }
0x15: {  	s12 =	sadd.s32 $0x1000, s10;
	s16 =	smov.u32 s10;
	p2 =	sgt.s32 s14, $0x31  }
0x16: {  	s16 =	smov.u32 @p2 s12  }
0x17: {  	s14 =	simm.s32 @p2 $0x0;
	p2 =	sgt.s32 s16, $0xFFF  }
0x18: {  	s16 =	smov.u32 @p2 s2;
	p2 =	sne.s32 s11, s7  }
.Ltmp1:
0x19: {  	p1 =	slt.u32 s11, $0x2;
	(pc) =	sbr.rel @!p2 .LBB1_6-.Ltmp1, $4  }
0x1a: {  	s15 =	simm.s32 @!p1 $0x2  }
0x1b: {  	s13 =	smov.u32 s10;
	p0 =	por !p0, !p0;
	_ =	swait.ge @!p1 [sflag:s15], $0x2000  }
0x1c: {  	s12 =	smov.u32 s9;
	[sflag:s15] =	ssyncset.done @!p1 $0x0;
	s9 =	smov.u32 s14  }
0x1d: {  	s11 =	sadd.s32 $0x1, s11;
	[sflag:s15] =	ssyncadd.s32 @!p1 $0xFFFFE000;
	s10 =	smov.u32 s16  }
.LBB1_1:
0x1e: {  	p1 =	sge.u32 s11, s5  }
0x1f: {  	s14 =	sand.u32 @!p1 $0x1FFFFFF, s9  }
0x20: {  	s15 =	smulhi.u32 @!p1 $0x4924925, s14;
	_ =	sdelay $0x1  }
0x21: {  	s15 =	smul.u32 @!p1 $0x38, s15  }
0x22: {  	s16 =	sxor.u32 @!p1 $0xFFFFFFFF, s11;
	s17 =	smul.u32 @!p1 $0x380, s10  }
0x23: {  	s31 =	sadd.s32 $0xFFFFFFFF, s11;
	s16 =	sshll.u32 @!p1 s16, $0xD;
	s14 =	ssub.s32 @!p1 s14, s15  }
0x24: {  	s15 =	sand.u32 @!p1 $0x2000, s16;
	s16 =	sadd.s32 @!p1 s6, s17;
	s14 =	sshll.u32 @!p1 s14, $0x4  }
0x25: {  	s17 =	simm.s32 @!p1 $0x1C00;
	s14 =	sadd.s32 @!p1 s14, s16;
	s16 =	simm.s32 @!p1 $0x40  }
0x26: {  	[tilespmem:s15], [sflag:$0x1] =	stream.strided.gather @!p1 [hbm4b:s14+s16], $0x2000, s17, s16, $0x38;
	[tilespmem:$0x8080] =	vst v63  }
0x27: {  	p1 =	sge.u32 s31, s5  }
.Ltmp2:
0x28: {  	_ = 	snop;
	(pc) =	sbr.rel @p1 .LBB1_5-.Ltmp2, $1  }
0x29: {  	_ =	sdelay $0x3  }
0x2a: {  	s14 =	simm.s32 $0x1  }
0x2b: {  	_ =	swait.ge [sflag:s4], $0x2000;
	s14 =	simm.s32 @!p0 $0x0  }
0x2c: {  	[sflag:s4] =	ssyncset.done $0x0;
	s15 =	sshll.u32 s14, $0xD  }
0x2d: {  	[sflag:s4] =	ssyncadd.s32 $0xFFFFE000;
	s18 =	sor.u32 $0x20, s15  }
0x2e: {  	s14 =	smul.u32 $0x8100, s14;
	v3 =	vld [tilespmem:s18+$0x10]  }
0x2f: {  	s30 =	sand.u32 $0x1, s11;
	v2 =	vld [tilespmem:s18+$0xFFFFFFF0]  }
0x30: {  	s15 =	smul.u32 $0x8100, s30;
	s14 =	sshrl.u32 s14, $0x2;
	v0 =	vld [tilespmem:s18+$0x0]  }
0x31: {  	v1 =	vld [tilespmem:s18+$0xFFFFFFE0];
	s16 =	sor.u32 $0x4000, s14  }
0x32: {  	s31 =	sshrl.u32 s15, $0x2;
	s15 =	sadd.s32 $0x0, s16  }
0x33: {  	s17 =	simm.s32 $0x4;
	s18 =	sadd.s32 $0x40, s18;
	s14 =	sor.u32 $0x4000, s31;
	[tilespmem:s15+$0x1830 ss:$0x81] =	vst.msk $0xffff, v3  }
.LBB1_3:
0x34: {  	v3 =	vld [tilespmem:s18+$0x10];
	p1 =	sne.s32 s17, $0x1FC;
	[tilespmem:s15+$0x810 ss:$0x81] =	vst.msk $0xffff, v2;
	s19 =	smov.u32 s17;
	s17 =	sadd.s32 $0x4, s17  }
.Ltmp3:
0x35: {  	v2 =	vld [tilespmem:s18+$0xFFFFFFF0];
	[tilespmem:s15+$0x1020 ss:$0x81] =	vst.msk $0xffff, v0;
	(pc) =	sbr.rel @p1 .LBB1_3-.Ltmp3, $4  }
0x36: {  	v0 =	vld [tilespmem:s18+$0x0];
	[tilespmem:s15+$0x0 ss:$0x81] =	vst.msk $0xffff, v1  }
0x37: {  	s15 =	sshra.s32 s19, $0x2;
	v1 =	vld [tilespmem:s18+$0xFFFFFFE0]  }
0x38: {  	s15 =	sadd.s32 s15, s16  }
0x39: {  	s18 =	sadd.s32 $0x40, s18;
	[tilespmem:s15+$0x1830 ss:$0x81] =	vst.msk $0xffff, v3  }
.Ltmp4:
0x3a: {  	_ = 	snop;
	(pc) =	sbr.rel .LBB1_4-.Ltmp4, $1  }
0x3b: {  	_ =	sdelay $0x3  }
.LBB1_6:
0x3c: {  	_ =	sfence.sel $0x180000  }
0x3d: {  	s2 =	simm.s32 $0x1;
	[bflag:$0x0] =	sbarrier.arrive $0xFFFF  }
0x3e: {  	s31 =	simm.s32 $0x2;
	[sflag:s2] =	ssyncpa.u1 $0x1  }
0x3f: {  	[sflag:s31] =	ssyncpa.u1 $0x1  }
0x40: {  	p0 =	sne.s32 s0, $0x0;
	_ =	strace $0x9000004A  }
0x41: {  	s0 =	sadd.s32 @!p0 $0x100000, s1;
	[bflag:$0x2] =	sbarrier.arrive $0xFFFF  }
0x42: {  	[sflag:s0] =	ssyncadd.tile.s32 @!p0 $0x1;
	_ =	shalt  }
.Lfunc_end1:
_tile_overlayer_lowered:
.L_overlay_start_2:
0x43: {  	(tag) =	ssettag $0x2  }
0x44: {  	s0 =	rddreg [dreg:$0x0];
	s2 =	stileid.u32  }
0x45: {  	s1 =	rddreg [dreg:$0x1];
	p0 =	sne.s32 s2, $0x0  }
0x46: {  	s3 =	rddreg [dreg:$0x2];
	[bflag:$0x3] =	sbarrier.arrive $0xFFFF;
	s2 =	simm.s32 @!p0 $0x1C01  }
0x47: {  	[timem:s3], [sflag:s2] =	dma.local @!p0 [hbm:s0], s1  }
0x48: {  	s0 =	simm.s32 @!p0 $0x1  }
0x49: {  	_ =	swait.ge @!p0 [sflag:s0], s1  }
0x4a: {  	s1 =	ssub.s32 @!p0 $0x0, s1;
	[sflag:s0] =	ssyncset.done @!p0 $0x0  }
0x4b: {  	[sflag:s0] =	ssyncadd.s32 @!p0 s1  }
0x4c: {  	[bflag:$0x3] =	sbarrier.arrive $0xFFFF  }
0x4d: {  	_ =	shalt  }

</sc_bundles>
